<compile_context>
chip_gen: v7x
topology: tpu7x:2x2x1
jax: 0.10.2.dev20260603
libtpu: 0.0.44.dev20260713+nightly
codegen_flags: <defaults>
</compile_context>

<pallas_src>
import jax
import jax.numpy as jnp
from jax import lax
from jax.experimental import pallas as pl
from jax.experimental.pallas import tpu as pltpu
from jax.experimental.pallas import tpu_sc as plsc

N = 10000
E = 160000
G = 64
F = 256
H = 128
NCLASS = 16
NLAYER = 3

NC = 2
NS = 16
K = 104
NCHUNK = -(-E // (NS * K))
EPT = NCHUNK * K
E_PAD = NS * EPT
TROW = 624
TAIL = N - NS * TROW

BN = 1000
NBLK = N // BN



def _sc_agg_kernel(h2_hbm, src2_hbm, dst_hbm, zero_hbm, out_hbm,
                   idx_v, dst_v, rows0_v, rows1_v, agg_sh, gsem0, gsem1):
    c = lax.axis_index("c")
    s = lax.axis_index("s")

    pltpu.sync_copy(src2_hbm.at[c, s], idx_v)
    pltpu.sync_copy(dst_hbm.at[s], dst_v)

    pltpu.sync_copy(zero_hbm.at[pl.ds(0, TROW)],
                    agg_sh.at[pl.ds(s * TROW, TROW)])

    @pl.when(s == NS - 1)
    def _():
        pltpu.sync_copy(zero_hbm.at[pl.ds(0, TAIL + 8)],
                        agg_sh.at[pl.ds(NS * TROW, TAIL + 8)])

    plsc.subcore_barrier()

    def start_g(g, buf, sem):
        pltpu.async_copy(h2_hbm.at[idx_v.at[pl.ds(g * K, K)]], buf, sem)

    def drain_g(buf, sem):
        pltpu.make_async_copy(h2_hbm.at[pl.ds(0, K)], buf, sem).wait()

    def scat(g, buf):
        pltpu.sync_copy(buf, agg_sh.at[dst_v.at[g]], add=True)

    start_g(0, rows0_v, gsem0)

    def pair(p, carry):
        g = 2 * p
        drain_g(rows0_v, gsem0)
        start_g(g + 1, rows1_v, gsem1)
        scat(g, rows0_v)
        drain_g(rows1_v, gsem1)
        start_g(g + 2, rows0_v, gsem0)
        scat(g + 1, rows1_v)
        return carry
    lax.fori_loop(0, (NCHUNK - 1) // 2, pair, 0)

    drain_g(rows0_v, gsem0)
    scat(NCHUNK - 1, rows0_v)

    plsc.subcore_barrier()

    pltpu.sync_copy(agg_sh.at[pl.ds(s * TROW, TROW)],
                    out_hbm.at[c, pl.ds(s * TROW, TROW)])

    @pl.when(s == NS - 1)
    def _():
        pltpu.sync_copy(agg_sh.at[pl.ds(NS * TROW, TAIL)],
                        out_hbm.at[c, pl.ds(NS * TROW, TAIL)])


def _sc_agg(h2, src2, dstp, zeros):
    mesh = plsc.VectorSubcoreMesh(core_axis_name="c", subcore_axis_name="s",
                                  num_cores=NC, num_subcores=NS)
    return pl.kernel(
        _sc_agg_kernel,
        out_type=jax.ShapeDtypeStruct((NC, N, H), jnp.float32),
        mesh=mesh,
        scratch_types=[
            pltpu.VMEM((EPT,), jnp.int32),
            pltpu.VMEM((NCHUNK, K), jnp.int32),
            pltpu.VMEM((K, H), jnp.float32),
            pltpu.VMEM((K, H), jnp.float32),
            pltpu.VMEM_SHARED((N + 8, H), jnp.float32),
            pltpu.SemaphoreType.DMA,
            pltpu.SemaphoreType.DMA,
        ],
    )(h2, src2, dstp, zeros)



def _pre_kernel(x_ref, w_ref, b_ref, o_ref):
    o_ref[...] = (jnp.dot(x_ref[...], w_ref[...],
                          preferred_element_type=jnp.float32) + b_ref[...])


def _pre(x, W, b):
    return pl.pallas_call(
        _pre_kernel,
        grid=(NBLK,),
        in_specs=[
            pl.BlockSpec((BN, F), lambda i: (i, 0)),
            pl.BlockSpec((F, F), lambda i: (0, 0)),
            pl.BlockSpec((1, F), lambda i: (0, 0)),
        ],
        out_specs=pl.BlockSpec((BN, F), lambda i: (i, 0)),
        out_shape=jax.ShapeDtypeStruct((N, F), jnp.float32),
    )(x, W, b.reshape(1, F))


def _gin_mlp_kernel(h_ref, agg_ref, w1_ref, b1_ref, w2_ref, b2_ref, o_ref):
    uA = h_ref[:, :H] + agg_ref[0]
    uB = h_ref[:, H:] + agg_ref[1]
    t = jnp.dot(uA, w1_ref[:H, :], preferred_element_type=jnp.float32)
    t = t + jnp.dot(uB, w1_ref[H:, :], preferred_element_type=jnp.float32)
    t = jnp.maximum(t + b1_ref[...], 0.0)
    o = jnp.dot(t, w2_ref[...], preferred_element_type=jnp.float32) + b2_ref[...]
    o_ref[...] = jnp.maximum(o, 0.0)


def _gin_mlp(h, agg2, W1l, b1l, W2l, b2l):
    return pl.pallas_call(
        _gin_mlp_kernel,
        grid=(NBLK,),
        in_specs=[
            pl.BlockSpec((BN, F), lambda i: (i, 0)),
            pl.BlockSpec((NC, BN, H), lambda i: (0, i, 0)),
            pl.BlockSpec((F, F), lambda i: (0, 0)),
            pl.BlockSpec((1, F), lambda i: (0, 0)),
            pl.BlockSpec((F, F), lambda i: (0, 0)),
            pl.BlockSpec((1, F), lambda i: (0, 0)),
        ],
        out_specs=pl.BlockSpec((BN, F), lambda i: (i, 0)),
        out_shape=jax.ShapeDtypeStruct((N, F), jnp.float32),
    )(h, agg2, W1l, b1l.reshape(1, F), W2l, b2l.reshape(1, F))


def _pool_post_kernel(h_ref, batch_ref, wp1_ref, bp1_ref, wp2_ref, bp2_ref,
                      o_ref, acc_ref):
    i = pl.program_id(0)
    seg = batch_ref[0]
    onehot = (lax.broadcasted_iota(jnp.int32, (G, BN), 0) == seg
              ).astype(jnp.float32)
    part = jnp.dot(onehot, h_ref[...], preferred_element_type=jnp.float32)

    @pl.when(i == 0)
    def _():
        acc_ref[...] = part

    @pl.when(i > 0)
    def _():
        acc_ref[...] = acc_ref[...] + part

    @pl.when(i == NBLK - 1)
    def _():
        p = acc_ref[...]
        t = jnp.maximum(jnp.dot(p, wp1_ref[...],
                                preferred_element_type=jnp.float32)
                        + bp1_ref[...], 0.0)
        o = (jnp.dot(t, wp2_ref[...], preferred_element_type=jnp.float32)
             + bp2_ref[...])
        m = jnp.max(o, axis=1, keepdims=True)
        lse = jnp.log(jnp.sum(jnp.exp(o - m), axis=1, keepdims=True))
        o_ref[...] = o - m - lse


def _pool_post(h, batch_r, Wp1, bp1, Wp2, bp2):
    return pl.pallas_call(
        _pool_post_kernel,
        grid=(NBLK,),
        in_specs=[
            pl.BlockSpec((BN, F), lambda i: (i, 0)),
            pl.BlockSpec((1, 1, BN), lambda i: (i, 0, 0)),
            pl.BlockSpec((F, F), lambda i: (0, 0)),
            pl.BlockSpec((1, F), lambda i: (0, 0)),
            pl.BlockSpec((F, NCLASS), lambda i: (0, 0)),
            pl.BlockSpec((1, NCLASS), lambda i: (0, 0)),
        ],
        out_specs=pl.BlockSpec((G, NCLASS), lambda i: (0, 0)),
        out_shape=jax.ShapeDtypeStruct((G, NCLASS), jnp.float32),
        scratch_shapes=[pltpu.VMEM((G, F), jnp.float32)],
    )(h, batch_r, Wp1, bp1.reshape(1, F), Wp2, bp2.reshape(1, NCLASS))



def kernel(x, edge_index, batch, W_pre, b_pre, W1, b1, W2, b2,
           Wp1, bp1, Wp2, bp2):
    src = edge_index[0]
    dst = edge_index[1]
    pad = E_PAD - E
    srcp = jnp.concatenate([src, jnp.zeros((pad,), jnp.int32)])
    dstp = jnp.concatenate(
        [dst, N + (jnp.arange(pad, dtype=jnp.int32) % 8)])
    src2 = jnp.stack([2 * srcp, 2 * srcp + 1]).reshape(NC, NS, EPT)
    dstp = dstp.reshape(NS, NCHUNK, K)
    batch_r = batch.reshape(NBLK, 1, BN)
    zeros = jnp.zeros((TROW, H), jnp.float32)

    h = _pre(x, W_pre, b_pre)
    for l in range(NLAYER):
        agg2 = _sc_agg(h.reshape(2 * N, H), src2, dstp, zeros)
        h = _gin_mlp(h, agg2, W1[l], b1[l], W2[l], b2[l])
    return _pool_post(h, batch_r, Wp1, bp1, Wp2, bp2)

# --- scband reference (transcript-rebuilt; emitter-appended) ---
"""Pipeline reference for scband-gin-4896262718015 (READ-ONLY COPY).

The authoritative reference and input builder live on the scoring server;
editing this copy changes nothing except your own understanding.
"""

import jax, jax.numpy as jnp
import numpy as np

N = 10000
E = 160000
G = 64
NFEAT = 256
NHID = 256
NCLASS = 16
NLAYER = 3


def _linear_params(key, fan_in, fan_out):
    k1, k2 = jax.random.split(key)
    lim = 1.0 / np.sqrt(fan_in)
    W = jax.random.uniform(k1, (fan_in, fan_out), minval=-lim, maxval=lim, dtype=jnp.float32)
    b = jax.random.uniform(k2, (fan_out,), minval=-lim, maxval=lim, dtype=jnp.float32)
    return W, b


def setup_inputs(seed: int = 0) -> dict:
    key = jax.random.key(seed)
    ks = jax.random.split(key, 16)
    x = jax.random.normal(ks[0], (N, NFEAT), dtype=jnp.float32)
    edge_index = jax.random.randint(ks[1], (2, E), 0, N, dtype=jnp.int32)
    batch = jnp.sort(jax.random.randint(ks[2], (N,), 0, G, dtype=jnp.int32))
    W_pre, b_pre = _linear_params(ks[3], NFEAT, NHID)
    W1s, b1s, W2s, b2s = [], [], [], []
    for l in range(NLAYER):
        w1, bb1 = _linear_params(ks[4 + 2 * l], NHID, NHID)
        w2, bb2 = _linear_params(ks[5 + 2 * l], NHID, NHID)
        W1s.append(w1); b1s.append(bb1); W2s.append(w2); b2s.append(bb2)
    W1 = jnp.stack(W1s); b1 = jnp.stack(b1s)
    W2 = jnp.stack(W2s); b2 = jnp.stack(b2s)
    Wp1, bp1 = _linear_params(ks[12], NHID, NHID)
    Wp2, bp2 = _linear_params(ks[13], NHID, NCLASS)
    return {
        "x": x, "edge_index": edge_index, "batch": batch,
        "W_pre": W_pre, "b_pre": b_pre,
        "W1": W1, "b1": b1, "W2": W2, "b2": b2,
        "Wp1": Wp1, "bp1": bp1, "Wp2": Wp2, "bp2": bp2,
    }


def reference(x, edge_index, batch, W_pre, b_pre, W1, b1, W2, b2, Wp1, bp1, Wp2, bp2):
    src = edge_index[0]
    dst = edge_index[1]
    # pre_mp
    h = x @ W_pre + b_pre
    # GINConv layers: h' = MLP((1+eps)*h + sum_{j in N(i)} h_j), eps=0 (PyG default)
    for l in range(NLAYER):
        msgs = jnp.take(h, src, axis=0)              # gather from source nodes
        agg = jax.ops.segment_sum(msgs, dst, num_segments=N)  # scatter-add to dst
        h2 = h + agg
        h2 = jnp.maximum(h2 @ W1[l] + b1[l], 0.0) @ W2[l] + b2[l]
        h = jnp.maximum(h2, 0.0)  # ReLU applied after each conv in model forward
    # global_add_pool over batch segment ids
    pooled = jax.ops.segment_sum(h, batch, num_segments=G)
    # post_mp
    out = jnp.maximum(pooled @ Wp1 + bp1, 0.0) @ Wp2 + bp2
    return jax.nn.log_softmax(out, axis=1)

if __name__ == "__main__":
    import jax
    _d = setup_inputs()
    print(jax.jit(kernel)(*tuple(_d.values())))

</pallas_src>

<mosaic_0001>
#map = affine_map<(d0, d1) -> (0, 0)>
#map1 = affine_map<(d0, d1) -> (0, 0, 0)>
module attributes {stable_mosaic.version = 14 : i64} {
  func.func @_sc_agg_kernel(%arg0: i32, %arg1: i32, %arg2: memref<20000x128xf32, #tpu.memory_space<hbm>>, %arg3: memref<2x16x10088xi32, #tpu.memory_space<hbm>>, %arg4: memref<16x97x104xi32, #tpu.memory_space<hbm>>, %arg5: memref<624x128xf32, #tpu.memory_space<hbm>>, %arg6: memref<2x10000x128xf32, #tpu.memory_space<hbm>>, %arg7: memref<10088xi32, #tpu.memory_space<vmem>>, %arg8: memref<97x104xi32, #tpu.memory_space<vmem>>, %arg9: memref<104x128xf32, #tpu.memory_space<vmem>>, %arg10: memref<104x128xf32, #tpu.memory_space<vmem>>, %arg11: memref<10008x128xf32, #tpu.memory_space<vmem_shared>>, %arg12: memref<!tpu.dma_semaphore, #tpu.memory_space<semaphore_mem>>, %arg13: memref<!tpu.dma_semaphore, #tpu.memory_space<semaphore_mem>>) attributes {dimension_semantics = [#tpu.dimension_semantics<core_parallel>, #tpu.dimension_semantics<subcore_parallel>], iteration_bounds = array<i64: 2, 16>, scalar_prefetch = 0 : i64, scratch_operands = 7 : i64, tpu.core_type = #tpu.core_type<sc_vector_subcore>, window_params = [{transform_indices = #map}, {transform_indices = #map1}, {transform_indices = #map1}, {transform_indices = #map}, {transform_indices = #map1}]} {
    "tpu.region"() ({
      %run_scoped3A_27 = tpu.sem_alloc : memref<!tpu.dma_semaphore, #tpu.memory_space<semaphore_mem>>
      %dma_start3A_28 = arith.constant 0 : i32
      %dma_start3A_29 = tpu.memref_slice %arg3[%arg0, %arg1, %dma_start3A_28] : memref<2x16x10088xi32, #tpu.memory_space<hbm>> -> memref<1x1x10088xi32, #tpu.memory_space<hbm>>
      %dma_start3A_30 = tpu.memref_squeeze %dma_start3A_29 : memref<1x1x10088xi32, #tpu.memory_space<hbm>> -> memref<10088xi32, #tpu.memory_space<hbm>>
      %dma_start3A_31 = arith.constant 0 : i32
      %dma_start3A_32 = tpu.memref_slice %arg3[%arg0, %arg1, %dma_start3A_31] : memref<2x16x10088xi32, #tpu.memory_space<hbm>> -> memref<1x1x10088xi32, #tpu.memory_space<hbm>>
      %dma_start3A_33 = tpu.memref_squeeze %dma_start3A_32 : memref<1x1x10088xi32, #tpu.memory_space<hbm>> -> memref<10088xi32, #tpu.memory_space<hbm>>
      tpu.enqueue_dma source(%dma_start3A_33 : memref<10088xi32, #tpu.memory_space<hbm>>) target(%arg7 : memref<10088xi32, #tpu.memory_space<vmem>>) target_semaphore(%run_scoped3A_27 : memref<!tpu.dma_semaphore, #tpu.memory_space<semaphore_mem>>)
      %dma_wait3A_34 = arith.constant 0 : i32
      %dma_wait3A_35 = tpu.memref_slice %arg3[%arg0, %arg1, %dma_wait3A_34] : memref<2x16x10088xi32, #tpu.memory_space<hbm>> -> memref<1x1x10088xi32, #tpu.memory_space<hbm>>
      %dma_wait3A_36 = tpu.memref_squeeze %dma_wait3A_35 : memref<1x1x10088xi32, #tpu.memory_space<hbm>> -> memref<10088xi32, #tpu.memory_space<hbm>>
      %dma_wait3A_37 = arith.constant 0 : i32
      %dma_wait3A_38 = tpu.memref_slice %arg3[%arg0, %arg1, %dma_wait3A_37] : memref<2x16x10088xi32, #tpu.memory_space<hbm>> -> memref<1x1x10088xi32, #tpu.memory_space<hbm>>
      %dma_wait3A_39 = tpu.memref_squeeze %dma_wait3A_38 : memref<1x1x10088xi32, #tpu.memory_space<hbm>> -> memref<10088xi32, #tpu.memory_space<hbm>>
      tpu.wait_dma2 semaphore(%run_scoped3A_27 : memref<!tpu.dma_semaphore, #tpu.memory_space<semaphore_mem>>) src(%dma_wait3A_39 : memref<10088xi32, #tpu.memory_space<hbm>>) dst(%arg7 : memref<10088xi32, #tpu.memory_space<vmem>>)
      tpu.yield
    }) : () -> ()
    "tpu.region"() ({
      %run_scoped3A_27 = tpu.sem_alloc : memref<!tpu.dma_semaphore, #tpu.memory_space<semaphore_mem>>
      %dma_start3A_28 = arith.constant 0 : i32
      %dma_start3A_29 = arith.constant 0 : i32
      %dma_start3A_30 = tpu.memref_slice %arg4[%arg1, %dma_start3A_28, %dma_start3A_29] : memref<16x97x104xi32, #tpu.memory_space<hbm>> -> memref<1x97x104xi32, #tpu.memory_space<hbm>>
      %dma_start3A_31 = tpu.memref_squeeze %dma_start3A_30 : memref<1x97x104xi32, #tpu.memory_space<hbm>> -> memref<97x104xi32, #tpu.memory_space<hbm>>
      %dma_start3A_32 = arith.constant 0 : i32
      %dma_start3A_33 = arith.constant 0 : i32
      %dma_start3A_34 = tpu.memref_slice %arg4[%arg1, %dma_start3A_32, %dma_start3A_33] : memref<16x97x104xi32, #tpu.memory_space<hbm>> -> memref<1x97x104xi32, #tpu.memory_space<hbm>>
      %dma_start3A_35 = tpu.memref_squeeze %dma_start3A_34 : memref<1x97x104xi32, #tpu.memory_space<hbm>> -> memref<97x104xi32, #tpu.memory_space<hbm>>
      tpu.enqueue_dma source(%dma_start3A_35 : memref<97x104xi32, #tpu.memory_space<hbm>>) target(%arg8 : memref<97x104xi32, #tpu.memory_space<vmem>>) target_semaphore(%run_scoped3A_27 : memref<!tpu.dma_semaphore, #tpu.memory_space<semaphore_mem>>)
      %dma_wait3A_36 = arith.constant 0 : i32
      %dma_wait3A_37 = arith.constant 0 : i32
      %dma_wait3A_38 = tpu.memref_slice %arg4[%arg1, %dma_wait3A_36, %dma_wait3A_37] : memref<16x97x104xi32, #tpu.memory_space<hbm>> -> memref<1x97x104xi32, #tpu.memory_space<hbm>>
      %dma_wait3A_39 = tpu.memref_squeeze %dma_wait3A_38 : memref<1x97x104xi32, #tpu.memory_space<hbm>> -> memref<97x104xi32, #tpu.memory_space<hbm>>
      %dma_wait3A_40 = arith.constant 0 : i32
      %dma_wait3A_41 = arith.constant 0 : i32
      %dma_wait3A_42 = tpu.memref_slice %arg4[%arg1, %dma_wait3A_40, %dma_wait3A_41] : memref<16x97x104xi32, #tpu.memory_space<hbm>> -> memref<1x97x104xi32, #tpu.memory_space<hbm>>
      %dma_wait3A_43 = tpu.memref_squeeze %dma_wait3A_42 : memref<1x97x104xi32, #tpu.memory_space<hbm>> -> memref<97x104xi32, #tpu.memory_space<hbm>>
      tpu.wait_dma2 semaphore(%run_scoped3A_27 : memref<!tpu.dma_semaphore, #tpu.memory_space<semaphore_mem>>) src(%dma_wait3A_43 : memref<97x104xi32, #tpu.memory_space<hbm>>) dst(%arg8 : memref<97x104xi32, #tpu.memory_space<vmem>>)
      tpu.yield
    }) : () -> ()
    %mul3A = arith.constant 624 : i32
    %mul3A_0 = arith.muli %arg1, %mul3A : i32
    "tpu.region"() ({
      %run_scoped3A_27 = tpu.sem_alloc : memref<!tpu.dma_semaphore, #tpu.memory_space<semaphore_mem>>
      %dma_start3A_28 = arith.constant 0 : i32
      %dma_start3A_29 = tpu.memref_slice %arg11[%mul3A_0, %dma_start3A_28] : memref<10008x128xf32, #tpu.memory_space<vmem_shared>> -> memref<624x128xf32, #tpu.memory_space<vmem_shared>>
      %dma_start3A_30 = arith.constant 0 : i32
      %dma_start3A_31 = arith.constant 0 : i32
      %dma_start3A_32 = tpu.memref_slice %arg5[%dma_start3A_30, %dma_start3A_31] : memref<624x128xf32, #tpu.memory_space<hbm>> -> memref<624x128xf32, #tpu.memory_space<hbm>>
      tpu.enqueue_dma source(%dma_start3A_32 : memref<624x128xf32, #tpu.memory_space<hbm>>) target(%dma_start3A_29 : memref<624x128xf32, #tpu.memory_space<vmem_shared>>) target_semaphore(%run_scoped3A_27 : memref<!tpu.dma_semaphore, #tpu.memory_space<semaphore_mem>>)
      %dma_wait3A_33 = arith.constant 0 : i32
      %dma_wait3A_34 = tpu.memref_slice %arg11[%mul3A_0, %dma_wait3A_33] : memref<10008x128xf32, #tpu.memory_space<vmem_shared>> -> memref<624x128xf32, #tpu.memory_space<vmem_shared>>
      %dma_wait3A_35 = arith.constant 0 : i32
      %dma_wait3A_36 = arith.constant 0 : i32
      %dma_wait3A_37 = tpu.memref_slice %arg5[%dma_wait3A_35, %dma_wait3A_36] : memref<624x128xf32, #tpu.memory_space<hbm>> -> memref<624x128xf32, #tpu.memory_space<hbm>>
      tpu.wait_dma2 semaphore(%run_scoped3A_27 : memref<!tpu.dma_semaphore, #tpu.memory_space<semaphore_mem>>) src(%dma_wait3A_37 : memref<624x128xf32, #tpu.memory_space<hbm>>) dst(%dma_wait3A_34 : memref<624x128xf32, #tpu.memory_space<vmem_shared>>)
      tpu.yield
    }) : () -> ()
    %eq3A = arith.constant 15 : i32
    %eq3A_1 = arith.cmpi eq, %arg1, %eq3A : i32
    %convert_element_type3A = arith.extui %eq3A_1 : i1 to i32
    %cond3A = arith.constant 0 : i32
    %cond3A_2 = arith.cmpi ne, %convert_element_type3A, %cond3A : i32
    scf.if %cond3A_2 {
      "tpu.region"() ({
        %run_scoped3A_27 = tpu.sem_alloc : memref<!tpu.dma_semaphore, #tpu.memory_space<semaphore_mem>>
        %dma_start3A_28 = arith.constant 9984 : i32
        %dma_start3A_29 = arith.constant 0 : i32
        %dma_start3A_30 = tpu.memref_slice %arg11[%dma_start3A_28, %dma_start3A_29] : memref<10008x128xf32, #tpu.memory_space<vmem_shared>> -> memref<24x128xf32, #tpu.memory_space<vmem_shared>>
        %dma_start3A_31 = arith.constant 0 : i32
        %dma_start3A_32 = arith.constant 0 : i32
        %dma_start3A_33 = tpu.memref_slice %arg5[%dma_start3A_31, %dma_start3A_32] : memref<624x128xf32, #tpu.memory_space<hbm>> -> memref<24x128xf32, #tpu.memory_space<hbm>>
        tpu.enqueue_dma source(%dma_start3A_33 : memref<24x128xf32, #tpu.memory_space<hbm>>) target(%dma_start3A_30 : memref<24x128xf32, #tpu.memory_space<vmem_shared>>) target_semaphore(%run_scoped3A_27 : memref<!tpu.dma_semaphore, #tpu.memory_space<semaphore_mem>>)
        %dma_wait3A_34 = arith.constant 9984 : i32
        %dma_wait3A_35 = arith.constant 0 : i32
        %dma_wait3A_36 = tpu.memref_slice %arg11[%dma_wait3A_34, %dma_wait3A_35] : memref<10008x128xf32, #tpu.memory_space<vmem_shared>> -> memref<24x128xf32, #tpu.memory_space<vmem_shared>>
        %dma_wait3A_37 = arith.constant 0 : i32
        %dma_wait3A_38 = arith.constant 0 : i32
        %dma_wait3A_39 = tpu.memref_slice %arg5[%dma_wait3A_37, %dma_wait3A_38] : memref<624x128xf32, #tpu.memory_space<hbm>> -> memref<24x128xf32, #tpu.memory_space<hbm>>
        tpu.wait_dma2 semaphore(%run_scoped3A_27 : memref<!tpu.dma_semaphore, #tpu.memory_space<semaphore_mem>>) src(%dma_wait3A_39 : memref<24x128xf32, #tpu.memory_space<hbm>>) dst(%dma_wait3A_36 : memref<24x128xf32, #tpu.memory_space<vmem_shared>>)
        tpu.yield
      }) : () -> ()
    } else {
    }
    %barrier3A = arith.constant 0 : index
    tpu.barrier barrier_id(%barrier3A)
    %dma_start3A = arith.constant 0 : i32
    %dma_start3A_3 = tpu.memref_slice %arg7[%dma_start3A] : memref<10088xi32, #tpu.memory_space<vmem>> -> memref<104xi32, #tpu.memory_space<vmem>>
    %dma_start3A_4 = arith.constant 0 : i32
    %dma_start3A_5 = arith.constant 0 : i32
    %dma_start3A_6 = tpu.memref_slice %arg2[%dma_start3A_4, %dma_start3A_5] : memref<20000x128xf32, #tpu.memory_space<hbm>> -> memref<20000x128xf32, #tpu.memory_space<hbm>>
    tpu.enqueue_indirect_dma source(%dma_start3A_6 : memref<20000x128xf32, #tpu.memory_space<hbm>>) target(%arg9 : memref<104x128xf32, #tpu.memory_space<vmem>>) offsets(%dma_start3A_3 : memref<104xi32, #tpu.memory_space<vmem>>) semaphore(%arg12 : memref<!tpu.dma_semaphore, #tpu.memory_space<semaphore_mem>>)
    %scan3A = arith.constant 0 : i32
    %scan3A_7 = arith.constant 0 : i32
    %scan3A_8 = arith.constant 48 : i32
    %scan3A_9 = arith.addi %scan3A_7, %scan3A_8 : i32
    %scan3A_10 = arith.constant 1 : i32
    scf.for %scan3A_27 = %scan3A_7 to %scan3A_9 step %scan3A_10  : i32 {
      %mul3A_28 = arith.constant 2 : i32
      %mul3A_29 = arith.muli %mul3A_28, %scan3A_27 : i32
      %dma_wait3A_30 = arith.constant 0 : i32
      %dma_wait3A_31 = arith.constant 0 : i32
      %dma_wait3A_32 = tpu.memref_slice %arg2[%dma_wait3A_30, %dma_wait3A_31] : memref<20000x128xf32, #tpu.memory_space<hbm>> -> memref<104x128xf32, #tpu.memory_space<hbm>>
      %dma_wait3A_33 = arith.constant 0 : i32
      %dma_wait3A_34 = arith.constant 0 : i32
      %dma_wait3A_35 = tpu.memref_slice %arg2[%dma_wait3A_33, %dma_wait3A_34] : memref<20000x128xf32, #tpu.memory_space<hbm>> -> memref<104x128xf32, #tpu.memory_space<hbm>>
      tpu.wait_dma2 semaphore(%arg12 : memref<!tpu.dma_semaphore, #tpu.memory_space<semaphore_mem>>) src(%dma_wait3A_35 : memref<104x128xf32, #tpu.memory_space<hbm>>) dst(%arg9 : memref<104x128xf32, #tpu.memory_space<vmem>>)
      %add3A = arith.constant 1 : i32
      %add3A_36 = arith.addi %mul3A_29, %add3A : i32
      %mul3A_37 = arith.constant 104 : i32
      %mul3A_38 = arith.muli %add3A_36, %mul3A_37 : i32
      %dma_start3A_39 = tpu.memref_slice %arg7[%mul3A_38] : memref<10088xi32, #tpu.memory_space<vmem>> -> memref<104xi32, #tpu.memory_space<vmem>>
      %dma_start3A_40 = arith.constant 0 : i32
      %dma_start3A_41 = arith.constant 0 : i32
      %dma_start3A_42 = tpu.memref_slice %arg2[%dma_start3A_40, %dma_start3A_41] : memref<20000x128xf32, #tpu.memory_space<hbm>> -> memref<20000x128xf32, #tpu.memory_space<hbm>>
      tpu.enqueue_indirect_dma source(%dma_start3A_42 : memref<20000x128xf32, #tpu.memory_space<hbm>>) target(%arg10 : memref<104x128xf32, #tpu.memory_space<vmem>>) offsets(%dma_start3A_39 : memref<104xi32, #tpu.memory_space<vmem>>) semaphore(%arg13 : memref<!tpu.dma_semaphore, #tpu.memory_space<semaphore_mem>>)
      "tpu.region"() ({
        %run_scoped3A_59 = tpu.sem_alloc : memref<!tpu.dma_semaphore, #tpu.memory_space<semaphore_mem>>
        %dma_start3A_60 = arith.constant 0 : i32
        %dma_start3A_61 = tpu.memref_slice %arg8[%mul3A_29, %dma_start3A_60] : memref<97x104xi32, #tpu.memory_space<vmem>> -> memref<1x104xi32, #tpu.memory_space<vmem>>
        %dma_start3A_62 = tpu.memref_squeeze %dma_start3A_61 : memref<1x104xi32, #tpu.memory_space<vmem>> -> memref<104xi32, #tpu.memory_space<vmem>>
        %dma_start3A_63 = arith.constant 0 : i32
        %dma_start3A_64 = arith.constant 0 : i32
        %dma_start3A_65 = tpu.memref_slice %arg11[%dma_start3A_63, %dma_start3A_64] : memref<10008x128xf32, #tpu.memory_space<vmem_shared>> -> memref<10008x128xf32, #tpu.memory_space<vmem_shared>>
        tpu.enqueue_indirect_dma source(%arg9 : memref<104x128xf32, #tpu.memory_space<vmem>>) target(%dma_start3A_65 : memref<10008x128xf32, #tpu.memory_space<vmem_shared>>) offsets(%dma_start3A_62 : memref<104xi32, #tpu.memory_space<vmem>>) semaphore(%run_scoped3A_59 : memref<!tpu.dma_semaphore, #tpu.memory_space<semaphore_mem>>) {add = true}
        %dma_wait3A_66 = arith.constant 0 : i32
        %dma_wait3A_67 = tpu.memref_slice %arg8[%mul3A_29, %dma_wait3A_66] : memref<97x104xi32, #tpu.memory_space<vmem>> -> memref<1x104xi32, #tpu.memory_space<vmem>>
        %dma_wait3A_68 = tpu.memref_squeeze %dma_wait3A_67 : memref<1x104xi32, #tpu.memory_space<vmem>> -> memref<104xi32, #tpu.memory_space<vmem>>
        %dma_wait3A_69 = arith.constant 0 : i32
        %dma_wait3A_70 = arith.constant 0 : i32
        %dma_wait3A_71 = tpu.memref_slice %arg11[%dma_wait3A_69, %dma_wait3A_70] : memref<10008x128xf32, #tpu.memory_space<vmem_shared>> -> memref<10008x128xf32, #tpu.memory_space<vmem_shared>>
        tpu.wait_indirect_dma semaphore(%run_scoped3A_59 : memref<!tpu.dma_semaphore, #tpu.memory_space<semaphore_mem>>) src(%arg9 : memref<104x128xf32, #tpu.memory_space<vmem>>) dst(%dma_wait3A_71 : memref<10008x128xf32, #tpu.memory_space<vmem_shared>>)
        tpu.yield
      }) : () -> ()
      %dma_wait3A_43 = arith.constant 0 : i32
      %dma_wait3A_44 = arith.constant 0 : i32
      %dma_wait3A_45 = tpu.memref_slice %arg2[%dma_wait3A_43, %dma_wait3A_44] : memref<20000x128xf32, #tpu.memory_space<hbm>> -> memref<104x128xf32, #tpu.memory_space<hbm>>
      %dma_wait3A_46 = arith.constant 0 : i32
      %dma_wait3A_47 = arith.constant 0 : i32
      %dma_wait3A_48 = tpu.memref_slice %arg2[%dma_wait3A_46, %dma_wait3A_47] : memref<20000x128xf32, #tpu.memory_space<hbm>> -> memref<104x128xf32, #tpu.memory_space<hbm>>
      tpu.wait_dma2 semaphore(%arg13 : memref<!tpu.dma_semaphore, #tpu.memory_space<semaphore_mem>>) src(%dma_wait3A_48 : memref<104x128xf32, #tpu.memory_space<hbm>>) dst(%arg10 : memref<104x128xf32, #tpu.memory_space<vmem>>)
      %add3A_49 = arith.constant 2 : i32
      %add3A_50 = arith.addi %mul3A_29, %add3A_49 : i32
      %mul3A_51 = arith.constant 104 : i32
      %mul3A_52 = arith.muli %add3A_50, %mul3A_51 : i32
      %dma_start3A_53 = tpu.memref_slice %arg7[%mul3A_52] : memref<10088xi32, #tpu.memory_space<vmem>> -> memref<104xi32, #tpu.memory_space<vmem>>
      %dma_start3A_54 = arith.constant 0 : i32
      %dma_start3A_55 = arith.constant 0 : i32
      %dma_start3A_56 = tpu.memref_slice %arg2[%dma_start3A_54, %dma_start3A_55] : memref<20000x128xf32, #tpu.memory_space<hbm>> -> memref<20000x128xf32, #tpu.memory_space<hbm>>
      tpu.enqueue_indirect_dma source(%dma_start3A_56 : memref<20000x128xf32, #tpu.memory_space<hbm>>) target(%arg9 : memref<104x128xf32, #tpu.memory_space<vmem>>) offsets(%dma_start3A_53 : memref<104xi32, #tpu.memory_space<vmem>>) semaphore(%arg12 : memref<!tpu.dma_semaphore, #tpu.memory_space<semaphore_mem>>)
      %add3A_57 = arith.constant 1 : i32
      %add3A_58 = arith.addi %mul3A_29, %add3A_57 : i32
      "tpu.region"() ({
        %run_scoped3A_59 = tpu.sem_alloc : memref<!tpu.dma_semaphore, #tpu.memory_space<semaphore_mem>>
        %dma_start3A_60 = arith.constant 0 : i32
        %dma_start3A_61 = tpu.memref_slice %arg8[%add3A_58, %dma_start3A_60] : memref<97x104xi32, #tpu.memory_space<vmem>> -> memref<1x104xi32, #tpu.memory_space<vmem>>
        %dma_start3A_62 = tpu.memref_squeeze %dma_start3A_61 : memref<1x104xi32, #tpu.memory_space<vmem>> -> memref<104xi32, #tpu.memory_space<vmem>>
        %dma_start3A_63 = arith.constant 0 : i32
        %dma_start3A_64 = arith.constant 0 : i32
        %dma_start3A_65 = tpu.memref_slice %arg11[%dma_start3A_63, %dma_start3A_64] : memref<10008x128xf32, #tpu.memory_space<vmem_shared>> -> memref<10008x128xf32, #tpu.memory_space<vmem_shared>>
        tpu.enqueue_indirect_dma source(%arg10 : memref<104x128xf32, #tpu.memory_space<vmem>>) target(%dma_start3A_65 : memref<10008x128xf32, #tpu.memory_space<vmem_shared>>) offsets(%dma_start3A_62 : memref<104xi32, #tpu.memory_space<vmem>>) semaphore(%run_scoped3A_59 : memref<!tpu.dma_semaphore, #tpu.memory_space<semaphore_mem>>) {add = true}
        %dma_wait3A_66 = arith.constant 0 : i32
        %dma_wait3A_67 = tpu.memref_slice %arg8[%add3A_58, %dma_wait3A_66] : memref<97x104xi32, #tpu.memory_space<vmem>> -> memref<1x104xi32, #tpu.memory_space<vmem>>
        %dma_wait3A_68 = tpu.memref_squeeze %dma_wait3A_67 : memref<1x104xi32, #tpu.memory_space<vmem>> -> memref<104xi32, #tpu.memory_space<vmem>>
        %dma_wait3A_69 = arith.constant 0 : i32
        %dma_wait3A_70 = arith.constant 0 : i32
        %dma_wait3A_71 = tpu.memref_slice %arg11[%dma_wait3A_69, %dma_wait3A_70] : memref<10008x128xf32, #tpu.memory_space<vmem_shared>> -> memref<10008x128xf32, #tpu.memory_space<vmem_shared>>
        tpu.wait_indirect_dma semaphore(%run_scoped3A_59 : memref<!tpu.dma_semaphore, #tpu.memory_space<semaphore_mem>>) src(%arg10 : memref<104x128xf32, #tpu.memory_space<vmem>>) dst(%dma_wait3A_71 : memref<10008x128xf32, #tpu.memory_space<vmem_shared>>)
        tpu.yield
      }) : () -> ()
    }
    %scan3A_11 = arith.constant 48 : i32
    %dma_wait3A = arith.constant 0 : i32
    %dma_wait3A_12 = arith.constant 0 : i32
    %dma_wait3A_13 = tpu.memref_slice %arg2[%dma_wait3A, %dma_wait3A_12] : memref<20000x128xf32, #tpu.memory_space<hbm>> -> memref<104x128xf32, #tpu.memory_space<hbm>>
    %dma_wait3A_14 = arith.constant 0 : i32
    %dma_wait3A_15 = arith.constant 0 : i32
    %dma_wait3A_16 = tpu.memref_slice %arg2[%dma_wait3A_14, %dma_wait3A_15] : memref<20000x128xf32, #tpu.memory_space<hbm>> -> memref<104x128xf32, #tpu.memory_space<hbm>>
    tpu.wait_dma2 semaphore(%arg12 : memref<!tpu.dma_semaphore, #tpu.memory_space<semaphore_mem>>) src(%dma_wait3A_16 : memref<104x128xf32, #tpu.memory_space<hbm>>) dst(%arg9 : memref<104x128xf32, #tpu.memory_space<vmem>>)
    %run_scoped3A = arith.constant 96 : i32
    "tpu.region"() ({
      %run_scoped3A_27 = tpu.sem_alloc : memref<!tpu.dma_semaphore, #tpu.memory_space<semaphore_mem>>
      %dma_start3A_28 = arith.constant 0 : i32
      %dma_start3A_29 = tpu.memref_slice %arg8[%run_scoped3A, %dma_start3A_28] : memref<97x104xi32, #tpu.memory_space<vmem>> -> memref<1x104xi32, #tpu.memory_space<vmem>>
      %dma_start3A_30 = tpu.memref_squeeze %dma_start3A_29 : memref<1x104xi32, #tpu.memory_space<vmem>> -> memref<104xi32, #tpu.memory_space<vmem>>
      %dma_start3A_31 = arith.constant 0 : i32
      %dma_start3A_32 = arith.constant 0 : i32
      %dma_start3A_33 = tpu.memref_slice %arg11[%dma_start3A_31, %dma_start3A_32] : memref<10008x128xf32, #tpu.memory_space<vmem_shared>> -> memref<10008x128xf32, #tpu.memory_space<vmem_shared>>
      tpu.enqueue_indirect_dma source(%arg9 : memref<104x128xf32, #tpu.memory_space<vmem>>) target(%dma_start3A_33 : memref<10008x128xf32, #tpu.memory_space<vmem_shared>>) offsets(%dma_start3A_30 : memref<104xi32, #tpu.memory_space<vmem>>) semaphore(%run_scoped3A_27 : memref<!tpu.dma_semaphore, #tpu.memory_space<semaphore_mem>>) {add = true}
      %dma_wait3A_34 = arith.constant 0 : i32
      %dma_wait3A_35 = tpu.memref_slice %arg8[%run_scoped3A, %dma_wait3A_34] : memref<97x104xi32, #tpu.memory_space<vmem>> -> memref<1x104xi32, #tpu.memory_space<vmem>>
      %dma_wait3A_36 = tpu.memref_squeeze %dma_wait3A_35 : memref<1x104xi32, #tpu.memory_space<vmem>> -> memref<104xi32, #tpu.memory_space<vmem>>
      %dma_wait3A_37 = arith.constant 0 : i32
      %dma_wait3A_38 = arith.constant 0 : i32
      %dma_wait3A_39 = tpu.memref_slice %arg11[%dma_wait3A_37, %dma_wait3A_38] : memref<10008x128xf32, #tpu.memory_space<vmem_shared>> -> memref<10008x128xf32, #tpu.memory_space<vmem_shared>>
      tpu.wait_indirect_dma semaphore(%run_scoped3A_27 : memref<!tpu.dma_semaphore, #tpu.memory_space<semaphore_mem>>) src(%arg9 : memref<104x128xf32, #tpu.memory_space<vmem>>) dst(%dma_wait3A_39 : memref<10008x128xf32, #tpu.memory_space<vmem_shared>>)
      tpu.yield
    }) : () -> ()
    %barrier3A_17 = arith.constant 0 : index
    tpu.barrier barrier_id(%barrier3A_17)
    %mul3A_18 = arith.constant 624 : i32
    %mul3A_19 = arith.muli %arg1, %mul3A_18 : i32
    %mul3A_20 = arith.constant 624 : i32
    %mul3A_21 = arith.muli %arg1, %mul3A_20 : i32
    "tpu.region"() ({
      %run_scoped3A_27 = tpu.sem_alloc : memref<!tpu.dma_semaphore, #tpu.memory_space<semaphore_mem>>
      %dma_start3A_28 = arith.constant 0 : i32
      %dma_start3A_29 = tpu.memref_slice %arg6[%arg0, %mul3A_21, %dma_start3A_28] : memref<2x10000x128xf32, #tpu.memory_space<hbm>> -> memref<1x624x128xf32, #tpu.memory_space<hbm>>
      %dma_start3A_30 = tpu.memref_squeeze %dma_start3A_29 : memref<1x624x128xf32, #tpu.memory_space<hbm>> -> memref<624x128xf32, #tpu.memory_space<hbm>>
      %dma_start3A_31 = arith.constant 0 : i32
      %dma_start3A_32 = tpu.memref_slice %arg11[%mul3A_19, %dma_start3A_31] : memref<10008x128xf32, #tpu.memory_space<vmem_shared>> -> memref<624x128xf32, #tpu.memory_space<vmem_shared>>
      tpu.enqueue_dma source(%dma_start3A_32 : memref<624x128xf32, #tpu.memory_space<vmem_shared>>) target(%dma_start3A_30 : memref<624x128xf32, #tpu.memory_space<hbm>>) target_semaphore(%run_scoped3A_27 : memref<!tpu.dma_semaphore, #tpu.memory_space<semaphore_mem>>)
      %dma_wait3A_33 = arith.constant 0 : i32
      %dma_wait3A_34 = tpu.memref_slice %arg6[%arg0, %mul3A_21, %dma_wait3A_33] : memref<2x10000x128xf32, #tpu.memory_space<hbm>> -> memref<1x624x128xf32, #tpu.memory_space<hbm>>
      %dma_wait3A_35 = tpu.memref_squeeze %dma_wait3A_34 : memref<1x624x128xf32, #tpu.memory_space<hbm>> -> memref<624x128xf32, #tpu.memory_space<hbm>>
      %dma_wait3A_36 = arith.constant 0 : i32
      %dma_wait3A_37 = tpu.memref_slice %arg11[%mul3A_19, %dma_wait3A_36] : memref<10008x128xf32, #tpu.memory_space<vmem_shared>> -> memref<624x128xf32, #tpu.memory_space<vmem_shared>>
      tpu.wait_dma2 semaphore(%run_scoped3A_27 : memref<!tpu.dma_semaphore, #tpu.memory_space<semaphore_mem>>) src(%dma_wait3A_37 : memref<624x128xf32, #tpu.memory_space<vmem_shared>>) dst(%dma_wait3A_35 : memref<624x128xf32, #tpu.memory_space<hbm>>)
      tpu.yield
    }) : () -> ()
    %eq3A_22 = arith.constant 15 : i32
    %eq3A_23 = arith.cmpi eq, %arg1, %eq3A_22 : i32
    %convert_element_type3A_24 = arith.extui %eq3A_23 : i1 to i32
    %cond3A_25 = arith.constant 0 : i32
    %cond3A_26 = arith.cmpi ne, %convert_element_type3A_24, %cond3A_25 : i32
    scf.if %cond3A_26 {
      "tpu.region"() ({
        %run_scoped3A_27 = tpu.sem_alloc : memref<!tpu.dma_semaphore, #tpu.memory_space<semaphore_mem>>
        %dma_start3A_28 = arith.constant 9984 : i32
        %dma_start3A_29 = arith.constant 0 : i32
        %dma_start3A_30 = tpu.memref_slice %arg6[%arg0, %dma_start3A_28, %dma_start3A_29] : memref<2x10000x128xf32, #tpu.memory_space<hbm>> -> memref<1x16x128xf32, #tpu.memory_space<hbm>>
        %dma_start3A_31 = tpu.memref_squeeze %dma_start3A_30 : memref<1x16x128xf32, #tpu.memory_space<hbm>> -> memref<16x128xf32, #tpu.memory_space<hbm>>
        %dma_start3A_32 = arith.constant 9984 : i32
        %dma_start3A_33 = arith.constant 0 : i32
        %dma_start3A_34 = tpu.memref_slice %arg11[%dma_start3A_32, %dma_start3A_33] : memref<10008x128xf32, #tpu.memory_space<vmem_shared>> -> memref<16x128xf32, #tpu.memory_space<vmem_shared>>
        tpu.enqueue_dma source(%dma_start3A_34 : memref<16x128xf32, #tpu.memory_space<vmem_shared>>) target(%dma_start3A_31 : memref<16x128xf32, #tpu.memory_space<hbm>>) target_semaphore(%run_scoped3A_27 : memref<!tpu.dma_semaphore, #tpu.memory_space<semaphore_mem>>)
        %dma_wait3A_35 = arith.constant 9984 : i32
        %dma_wait3A_36 = arith.constant 0 : i32
        %dma_wait3A_37 = tpu.memref_slice %arg6[%arg0, %dma_wait3A_35, %dma_wait3A_36] : memref<2x10000x128xf32, #tpu.memory_space<hbm>> -> memref<1x16x128xf32, #tpu.memory_space<hbm>>
        %dma_wait3A_38 = tpu.memref_squeeze %dma_wait3A_37 : memref<1x16x128xf32, #tpu.memory_space<hbm>> -> memref<16x128xf32, #tpu.memory_space<hbm>>
        %dma_wait3A_39 = arith.constant 9984 : i32
        %dma_wait3A_40 = arith.constant 0 : i32
        %dma_wait3A_41 = tpu.memref_slice %arg11[%dma_wait3A_39, %dma_wait3A_40] : memref<10008x128xf32, #tpu.memory_space<vmem_shared>> -> memref<16x128xf32, #tpu.memory_space<vmem_shared>>
        tpu.wait_dma2 semaphore(%run_scoped3A_27 : memref<!tpu.dma_semaphore, #tpu.memory_space<semaphore_mem>>) src(%dma_wait3A_41 : memref<16x128xf32, #tpu.memory_space<vmem_shared>>) dst(%dma_wait3A_38 : memref<16x128xf32, #tpu.memory_space<hbm>>)
        tpu.yield
      }) : () -> ()
    } else {
    }
    return
  }
}

#map = affine_map<(d0, d1) -> (0, 0)>
#map1 = affine_map<(d0, d1) -> (0, 0, 0)>
module attributes {stable_mosaic.version = 14 : i64} {
  func.func @_sc_agg_kernel(%arg0: i32, %arg1: i32, %arg2: memref<20000x128xf32, #tpu.memory_space<hbm>>, %arg3: memref<2x16x10088xi32, #tpu.memory_space<hbm>>, %arg4: memref<16x97x104xi32, #tpu.memory_space<hbm>>, %arg5: memref<624x128xf32, #tpu.memory_space<hbm>>, %arg6: memref<2x10000x128xf32, #tpu.memory_space<hbm>>, %arg7: memref<10088xi32, #tpu.memory_space<vmem>>, %arg8: memref<97x104xi32, #tpu.memory_space<vmem>>, %arg9: memref<104x128xf32, #tpu.memory_space<vmem>>, %arg10: memref<104x128xf32, #tpu.memory_space<vmem>>, %arg11: memref<10008x128xf32, #tpu.memory_space<vmem_shared>>, %arg12: memref<!tpu.dma_semaphore, #tpu.memory_space<semaphore_mem>>, %arg13: memref<!tpu.dma_semaphore, #tpu.memory_space<semaphore_mem>>) attributes {dimension_semantics = [#tpu.dimension_semantics<core_parallel>, #tpu.dimension_semantics<subcore_parallel>], iteration_bounds = array<i64: 2, 16>, scalar_prefetch = 0 : i64, scratch_operands = 7 : i64, tpu.core_type = #tpu.core_type<sc_vector_subcore>, window_params = [{transform_indices = #map}, {transform_indices = #map1}, {transform_indices = #map1}, {transform_indices = #map}, {transform_indices = #map1}]} {
    "tpu.region"() ({
      %run_scoped3A_27 = tpu.sem_alloc : memref<!tpu.dma_semaphore, #tpu.memory_space<semaphore_mem>>
      %dma_start3A_28 = arith.constant 0 : i32
      %dma_start3A_29 = tpu.memref_slice %arg3[%arg0, %arg1, %dma_start3A_28] : memref<2x16x10088xi32, #tpu.memory_space<hbm>> -> memref<1x1x10088xi32, #tpu.memory_space<hbm>>
      %dma_start3A_30 = tpu.memref_squeeze %dma_start3A_29 : memref<1x1x10088xi32, #tpu.memory_space<hbm>> -> memref<10088xi32, #tpu.memory_space<hbm>>
      %dma_start3A_31 = arith.constant 0 : i32
      %dma_start3A_32 = tpu.memref_slice %arg3[%arg0, %arg1, %dma_start3A_31] : memref<2x16x10088xi32, #tpu.memory_space<hbm>> -> memref<1x1x10088xi32, #tpu.memory_space<hbm>>
      %dma_start3A_33 = tpu.memref_squeeze %dma_start3A_32 : memref<1x1x10088xi32, #tpu.memory_space<hbm>> -> memref<10088xi32, #tpu.memory_space<hbm>>
      tpu.enqueue_dma source(%dma_start3A_33 : memref<10088xi32, #tpu.memory_space<hbm>>) target(%arg7 : memref<10088xi32, #tpu.memory_space<vmem>>) target_semaphore(%run_scoped3A_27 : memref<!tpu.dma_semaphore, #tpu.memory_space<semaphore_mem>>)
      %dma_wait3A_34 = arith.constant 0 : i32
      %dma_wait3A_35 = tpu.memref_slice %arg3[%arg0, %arg1, %dma_wait3A_34] : memref<2x16x10088xi32, #tpu.memory_space<hbm>> -> memref<1x1x10088xi32, #tpu.memory_space<hbm>>
      %dma_wait3A_36 = tpu.memref_squeeze %dma_wait3A_35 : memref<1x1x10088xi32, #tpu.memory_space<hbm>> -> memref<10088xi32, #tpu.memory_space<hbm>>
      %dma_wait3A_37 = arith.constant 0 : i32
      %dma_wait3A_38 = tpu.memref_slice %arg3[%arg0, %arg1, %dma_wait3A_37] : memref<2x16x10088xi32, #tpu.memory_space<hbm>> -> memref<1x1x10088xi32, #tpu.memory_space<hbm>>
      %dma_wait3A_39 = tpu.memref_squeeze %dma_wait3A_38 : memref<1x1x10088xi32, #tpu.memory_space<hbm>> -> memref<10088xi32, #tpu.memory_space<hbm>>
      tpu.wait_dma2 semaphore(%run_scoped3A_27 : memref<!tpu.dma_semaphore, #tpu.memory_space<semaphore_mem>>) src(%dma_wait3A_39 : memref<10088xi32, #tpu.memory_space<hbm>>) dst(%arg7 : memref<10088xi32, #tpu.memory_space<vmem>>)
      tpu.yield
    }) : () -> ()
    "tpu.region"() ({
      %run_scoped3A_27 = tpu.sem_alloc : memref<!tpu.dma_semaphore, #tpu.memory_space<semaphore_mem>>
      %dma_start3A_28 = arith.constant 0 : i32
      %dma_start3A_29 = arith.constant 0 : i32
      %dma_start3A_30 = tpu.memref_slice %arg4[%arg1, %dma_start3A_28, %dma_start3A_29] : memref<16x97x104xi32, #tpu.memory_space<hbm>> -> memref<1x97x104xi32, #tpu.memory_space<hbm>>
      %dma_start3A_31 = tpu.memref_squeeze %dma_start3A_30 : memref<1x97x104xi32, #tpu.memory_space<hbm>> -> memref<97x104xi32, #tpu.memory_space<hbm>>
      %dma_start3A_32 = arith.constant 0 : i32
      %dma_start3A_33 = arith.constant 0 : i32
      %dma_start3A_34 = tpu.memref_slice %arg4[%arg1, %dma_start3A_32, %dma_start3A_33] : memref<16x97x104xi32, #tpu.memory_space<hbm>> -> memref<1x97x104xi32, #tpu.memory_space<hbm>>
      %dma_start3A_35 = tpu.memref_squeeze %dma_start3A_34 : memref<1x97x104xi32, #tpu.memory_space<hbm>> -> memref<97x104xi32, #tpu.memory_space<hbm>>
      tpu.enqueue_dma source(%dma_start3A_35 : memref<97x104xi32, #tpu.memory_space<hbm>>) target(%arg8 : memref<97x104xi32, #tpu.memory_space<vmem>>) target_semaphore(%run_scoped3A_27 : memref<!tpu.dma_semaphore, #tpu.memory_space<semaphore_mem>>)
      %dma_wait3A_36 = arith.constant 0 : i32
      %dma_wait3A_37 = arith.constant 0 : i32
      %dma_wait3A_38 = tpu.memref_slice %arg4[%arg1, %dma_wait3A_36, %dma_wait3A_37] : memref<16x97x104xi32, #tpu.memory_space<hbm>> -> memref<1x97x104xi32, #tpu.memory_space<hbm>>
      %dma_wait3A_39 = tpu.memref_squeeze %dma_wait3A_38 : memref<1x97x104xi32, #tpu.memory_space<hbm>> -> memref<97x104xi32, #tpu.memory_space<hbm>>
      %dma_wait3A_40 = arith.constant 0 : i32
      %dma_wait3A_41 = arith.constant 0 : i32
      %dma_wait3A_42 = tpu.memref_slice %arg4[%arg1, %dma_wait3A_40, %dma_wait3A_41] : memref<16x97x104xi32, #tpu.memory_space<hbm>> -> memref<1x97x104xi32, #tpu.memory_space<hbm>>
      %dma_wait3A_43 = tpu.memref_squeeze %dma_wait3A_42 : memref<1x97x104xi32, #tpu.memory_space<hbm>> -> memref<97x104xi32, #tpu.memory_space<hbm>>
      tpu.wait_dma2 semaphore(%run_scoped3A_27 : memref<!tpu.dma_semaphore, #tpu.memory_space<semaphore_mem>>) src(%dma_wait3A_43 : memref<97x104xi32, #tpu.memory_space<hbm>>) dst(%arg8 : memref<97x104xi32, #tpu.memory_space<vmem>>)
      tpu.yield
    }) : () -> ()
    %mul3A = arith.constant 624 : i32
    %mul3A_0 = arith.muli %arg1, %mul3A : i32
    "tpu.region"() ({
      %run_scoped3A_27 = tpu.sem_alloc : memref<!tpu.dma_semaphore, #tpu.memory_space<semaphore_mem>>
      %dma_start3A_28 = arith.constant 0 : i32
      %dma_start3A_29 = tpu.memref_slice %arg11[%mul3A_0, %dma_start3A_28] : memref<10008x128xf32, #tpu.memory_space<vmem_shared>> -> memref<624x128xf32, #tpu.memory_space<vmem_shared>>
      %dma_start3A_30 = arith.constant 0 : i32
      %dma_start3A_31 = arith.constant 0 : i32
      %dma_start3A_32 = tpu.memref_slice %arg5[%dma_start3A_30, %dma_start3A_31] : memref<624x128xf32, #tpu.memory_space<hbm>> -> memref<624x128xf32, #tpu.memory_space<hbm>>
      tpu.enqueue_dma source(%dma_start3A_32 : memref<624x128xf32, #tpu.memory_space<hbm>>) target(%dma_start3A_29 : memref<624x128xf32, #tpu.memory_space<vmem_shared>>) target_semaphore(%run_scoped3A_27 : memref<!tpu.dma_semaphore, #tpu.memory_space<semaphore_mem>>)
      %dma_wait3A_33 = arith.constant 0 : i32
      %dma_wait3A_34 = tpu.memref_slice %arg11[%mul3A_0, %dma_wait3A_33] : memref<10008x128xf32, #tpu.memory_space<vmem_shared>> -> memref<624x128xf32, #tpu.memory_space<vmem_shared>>
      %dma_wait3A_35 = arith.constant 0 : i32
      %dma_wait3A_36 = arith.constant 0 : i32
      %dma_wait3A_37 = tpu.memref_slice %arg5[%dma_wait3A_35, %dma_wait3A_36] : memref<624x128xf32, #tpu.memory_space<hbm>> -> memref<624x128xf32, #tpu.memory_space<hbm>>
      tpu.wait_dma2 semaphore(%run_scoped3A_27 : memref<!tpu.dma_semaphore, #tpu.memory_space<semaphore_mem>>) src(%dma_wait3A_37 : memref<624x128xf32, #tpu.memory_space<hbm>>) dst(%dma_wait3A_34 : memref<624x128xf32, #tpu.memory_space<vmem_shared>>)
      tpu.yield
    }) : () -> ()
    %eq3A = arith.constant 15 : i32
    %eq3A_1 = arith.cmpi eq, %arg1, %eq3A : i32
    %convert_element_type3A = arith.extui %eq3A_1 : i1 to i32
    %cond3A = arith.constant 0 : i32
    %cond3A_2 = arith.cmpi ne, %convert_element_type3A, %cond3A : i32
    scf.if %cond3A_2 {
      "tpu.region"() ({
        %run_scoped3A_27 = tpu.sem_alloc : memref<!tpu.dma_semaphore, #tpu.memory_space<semaphore_mem>>
        %dma_start3A_28 = arith.constant 9984 : i32
        %dma_start3A_29 = arith.constant 0 : i32
        %dma_start3A_30 = tpu.memref_slice %arg11[%dma_start3A_28, %dma_start3A_29] : memref<10008x128xf32, #tpu.memory_space<vmem_shared>> -> memref<24x128xf32, #tpu.memory_space<vmem_shared>>
        %dma_start3A_31 = arith.constant 0 : i32
        %dma_start3A_32 = arith.constant 0 : i32
        %dma_start3A_33 = tpu.memref_slice %arg5[%dma_start3A_31, %dma_start3A_32] : memref<624x128xf32, #tpu.memory_space<hbm>> -> memref<24x128xf32, #tpu.memory_space<hbm>>
        tpu.enqueue_dma source(%dma_start3A_33 : memref<24x128xf32, #tpu.memory_space<hbm>>) target(%dma_start3A_30 : memref<24x128xf32, #tpu.memory_space<vmem_shared>>) target_semaphore(%run_scoped3A_27 : memref<!tpu.dma_semaphore, #tpu.memory_space<semaphore_mem>>)
        %dma_wait3A_34 = arith.constant 9984 : i32
        %dma_wait3A_35 = arith.constant 0 : i32
        %dma_wait3A_36 = tpu.memref_slice %arg11[%dma_wait3A_34, %dma_wait3A_35] : memref<10008x128xf32, #tpu.memory_space<vmem_shared>> -> memref<24x128xf32, #tpu.memory_space<vmem_shared>>
        %dma_wait3A_37 = arith.constant 0 : i32
        %dma_wait3A_38 = arith.constant 0 : i32
        %dma_wait3A_39 = tpu.memref_slice %arg5[%dma_wait3A_37, %dma_wait3A_38] : memref<624x128xf32, #tpu.memory_space<hbm>> -> memref<24x128xf32, #tpu.memory_space<hbm>>
        tpu.wait_dma2 semaphore(%run_scoped3A_27 : memref<!tpu.dma_semaphore, #tpu.memory_space<semaphore_mem>>) src(%dma_wait3A_39 : memref<24x128xf32, #tpu.memory_space<hbm>>) dst(%dma_wait3A_36 : memref<24x128xf32, #tpu.memory_space<vmem_shared>>)
        tpu.yield
      }) : () -> ()
    } else {
    }
    %barrier3A = arith.constant 0 : index
    tpu.barrier barrier_id(%barrier3A)
    %dma_start3A = arith.constant 0 : i32
    %dma_start3A_3 = tpu.memref_slice %arg7[%dma_start3A] : memref<10088xi32, #tpu.memory_space<vmem>> -> memref<104xi32, #tpu.memory_space<vmem>>
    %dma_start3A_4 = arith.constant 0 : i32
    %dma_start3A_5 = arith.constant 0 : i32
    %dma_start3A_6 = tpu.memref_slice %arg2[%dma_start3A_4, %dma_start3A_5] : memref<20000x128xf32, #tpu.memory_space<hbm>> -> memref<20000x128xf32, #tpu.memory_space<hbm>>
    tpu.enqueue_indirect_dma source(%dma_start3A_6 : memref<20000x128xf32, #tpu.memory_space<hbm>>) target(%arg9 : memref<104x128xf32, #tpu.memory_space<vmem>>) offsets(%dma_start3A_3 : memref<104xi32, #tpu.memory_space<vmem>>) semaphore(%arg12 : memref<!tpu.dma_semaphore, #tpu.memory_space<semaphore_mem>>)
    %scan3A = arith.constant 0 : i32
    %scan3A_7 = arith.constant 0 : i32
    %scan3A_8 = arith.constant 48 : i32
    %scan3A_9 = arith.addi %scan3A_7, %scan3A_8 : i32
    %scan3A_10 = arith.constant 1 : i32
    scf.for %scan3A_27 = %scan3A_7 to %scan3A_9 step %scan3A_10  : i32 {
      %mul3A_28 = arith.constant 2 : i32
      %mul3A_29 = arith.muli %mul3A_28, %scan3A_27 : i32
      %dma_wait3A_30 = arith.constant 0 : i32
      %dma_wait3A_31 = arith.constant 0 : i32
      %dma_wait3A_32 = tpu.memref_slice %arg2[%dma_wait3A_30, %dma_wait3A_31] : memref<20000x128xf32, #tpu.memory_space<hbm>> -> memref<104x128xf32, #tpu.memory_space<hbm>>
      %dma_wait3A_33 = arith.constant 0 : i32
      %dma_wait3A_34 = arith.constant 0 : i32
      %dma_wait3A_35 = tpu.memref_slice %arg2[%dma_wait3A_33, %dma_wait3A_34] : memref<20000x128xf32, #tpu.memory_space<hbm>> -> memref<104x128xf32, #tpu.memory_space<hbm>>
      tpu.wait_dma2 semaphore(%arg12 : memref<!tpu.dma_semaphore, #tpu.memory_space<semaphore_mem>>) src(%dma_wait3A_35 : memref<104x128xf32, #tpu.memory_space<hbm>>) dst(%arg9 : memref<104x128xf32, #tpu.memory_space<vmem>>)
      %add3A = arith.constant 1 : i32
      %add3A_36 = arith.addi %mul3A_29, %add3A : i32
      %mul3A_37 = arith.constant 104 : i32
      %mul3A_38 = arith.muli %add3A_36, %mul3A_37 : i32
      %dma_start3A_39 = tpu.memref_slice %arg7[%mul3A_38] : memref<10088xi32, #tpu.memory_space<vmem>> -> memref<104xi32, #tpu.memory_space<vmem>>
      %dma_start3A_40 = arith.constant 0 : i32
      %dma_start3A_41 = arith.constant 0 : i32
      %dma_start3A_42 = tpu.memref_slice %arg2[%dma_start3A_40, %dma_start3A_41] : memref<20000x128xf32, #tpu.memory_space<hbm>> -> memref<20000x128xf32, #tpu.memory_space<hbm>>
      tpu.enqueue_indirect_dma source(%dma_start3A_42 : memref<20000x128xf32, #tpu.memory_space<hbm>>) target(%arg10 : memref<104x128xf32, #tpu.memory_space<vmem>>) offsets(%dma_start3A_39 : memref<104xi32, #tpu.memory_space<vmem>>) semaphore(%arg13 : memref<!tpu.dma_semaphore, #tpu.memory_space<semaphore_mem>>)
      "tpu.region"() ({
        %run_scoped3A_59 = tpu.sem_alloc : memref<!tpu.dma_semaphore, #tpu.memory_space<semaphore_mem>>
        %dma_start3A_60 = arith.constant 0 : i32
        %dma_start3A_61 = tpu.memref_slice %arg8[%mul3A_29, %dma_start3A_60] : memref<97x104xi32, #tpu.memory_space<vmem>> -> memref<1x104xi32, #tpu.memory_space<vmem>>
        %dma_start3A_62 = tpu.memref_squeeze %dma_start3A_61 : memref<1x104xi32, #tpu.memory_space<vmem>> -> memref<104xi32, #tpu.memory_space<vmem>>
        %dma_start3A_63 = arith.constant 0 : i32
        %dma_start3A_64 = arith.constant 0 : i32
        %dma_start3A_65 = tpu.memref_slice %arg11[%dma_start3A_63, %dma_start3A_64] : memref<10008x128xf32, #tpu.memory_space<vmem_shared>> -> memref<10008x128xf32, #tpu.memory_space<vmem_shared>>
        tpu.enqueue_indirect_dma source(%arg9 : memref<104x128xf32, #tpu.memory_space<vmem>>) target(%dma_start3A_65 : memref<10008x128xf32, #tpu.memory_space<vmem_shared>>) offsets(%dma_start3A_62 : memref<104xi32, #tpu.memory_space<vmem>>) semaphore(%run_scoped3A_59 : memref<!tpu.dma_semaphore, #tpu.memory_space<semaphore_mem>>) {add = true}
        %dma_wait3A_66 = arith.constant 0 : i32
        %dma_wait3A_67 = tpu.memref_slice %arg8[%mul3A_29, %dma_wait3A_66] : memref<97x104xi32, #tpu.memory_space<vmem>> -> memref<1x104xi32, #tpu.memory_space<vmem>>
        %dma_wait3A_68 = tpu.memref_squeeze %dma_wait3A_67 : memref<1x104xi32, #tpu.memory_space<vmem>> -> memref<104xi32, #tpu.memory_space<vmem>>
        %dma_wait3A_69 = arith.constant 0 : i32
        %dma_wait3A_70 = arith.constant 0 : i32
        %dma_wait3A_71 = tpu.memref_slice %arg11[%dma_wait3A_69, %dma_wait3A_70] : memref<10008x128xf32, #tpu.memory_space<vmem_shared>> -> memref<10008x128xf32, #tpu.memory_space<vmem_shared>>
        tpu.wait_indirect_dma semaphore(%run_scoped3A_59 : memref<!tpu.dma_semaphore, #tpu.memory_space<semaphore_mem>>) src(%arg9 : memref<104x128xf32, #tpu.memory_space<vmem>>) dst(%dma_wait3A_71 : memref<10008x128xf32, #tpu.memory_space<vmem_shared>>)
        tpu.yield
      }) : () -> ()
      %dma_wait3A_43 = arith.constant 0 : i32
      %dma_wait3A_44 = arith.constant 0 : i32
      %dma_wait3A_45 = tpu.memref_slice %arg2[%dma_wait3A_43, %dma_wait3A_44] : memref<20000x128xf32, #tpu.memory_space<hbm>> -> memref<104x128xf32, #tpu.memory_space<hbm>>
      %dma_wait3A_46 = arith.constant 0 : i32
      %dma_wait3A_47 = arith.constant 0 : i32
      %dma_wait3A_48 = tpu.memref_slice %arg2[%dma_wait3A_46, %dma_wait3A_47] : memref<20000x128xf32, #tpu.memory_space<hbm>> -> memref<104x128xf32, #tpu.memory_space<hbm>>
      tpu.wait_dma2 semaphore(%arg13 : memref<!tpu.dma_semaphore, #tpu.memory_space<semaphore_mem>>) src(%dma_wait3A_48 : memref<104x128xf32, #tpu.memory_space<hbm>>) dst(%arg10 : memref<104x128xf32, #tpu.memory_space<vmem>>)
      %add3A_49 = arith.constant 2 : i32
      %add3A_50 = arith.addi %mul3A_29, %add3A_49 : i32
      %mul3A_51 = arith.constant 104 : i32
      %mul3A_52 = arith.muli %add3A_50, %mul3A_51 : i32
      %dma_start3A_53 = tpu.memref_slice %arg7[%mul3A_52] : memref<10088xi32, #tpu.memory_space<vmem>> -> memref<104xi32, #tpu.memory_space<vmem>>
      %dma_start3A_54 = arith.constant 0 : i32
      %dma_start3A_55 = arith.constant 0 : i32
      %dma_start3A_56 = tpu.memref_slice %arg2[%dma_start3A_54, %dma_start3A_55] : memref<20000x128xf32, #tpu.memory_space<hbm>> -> memref<20000x128xf32, #tpu.memory_space<hbm>>
      tpu.enqueue_indirect_dma source(%dma_start3A_56 : memref<20000x128xf32, #tpu.memory_space<hbm>>) target(%arg9 : memref<104x128xf32, #tpu.memory_space<vmem>>) offsets(%dma_start3A_53 : memref<104xi32, #tpu.memory_space<vmem>>) semaphore(%arg12 : memref<!tpu.dma_semaphore, #tpu.memory_space<semaphore_mem>>)
      %add3A_57 = arith.constant 1 : i32
      %add3A_58 = arith.addi %mul3A_29, %add3A_57 : i32
      "tpu.region"() ({
        %run_scoped3A_59 = tpu.sem_alloc : memref<!tpu.dma_semaphore, #tpu.memory_space<semaphore_mem>>
        %dma_start3A_60 = arith.constant 0 : i32
        %dma_start3A_61 = tpu.memref_slice %arg8[%add3A_58, %dma_start3A_60] : memref<97x104xi32, #tpu.memory_space<vmem>> -> memref<1x104xi32, #tpu.memory_space<vmem>>
        %dma_start3A_62 = tpu.memref_squeeze %dma_start3A_61 : memref<1x104xi32, #tpu.memory_space<vmem>> -> memref<104xi32, #tpu.memory_space<vmem>>
        %dma_start3A_63 = arith.constant 0 : i32
        %dma_start3A_64 = arith.constant 0 : i32
        %dma_start3A_65 = tpu.memref_slice %arg11[%dma_start3A_63, %dma_start3A_64] : memref<10008x128xf32, #tpu.memory_space<vmem_shared>> -> memref<10008x128xf32, #tpu.memory_space<vmem_shared>>
        tpu.enqueue_indirect_dma source(%arg10 : memref<104x128xf32, #tpu.memory_space<vmem>>) target(%dma_start3A_65 : memref<10008x128xf32, #tpu.memory_space<vmem_shared>>) offsets(%dma_start3A_62 : memref<104xi32, #tpu.memory_space<vmem>>) semaphore(%run_scoped3A_59 : memref<!tpu.dma_semaphore, #tpu.memory_space<semaphore_mem>>) {add = true}
        %dma_wait3A_66 = arith.constant 0 : i32
        %dma_wait3A_67 = tpu.memref_slice %arg8[%add3A_58, %dma_wait3A_66] : memref<97x104xi32, #tpu.memory_space<vmem>> -> memref<1x104xi32, #tpu.memory_space<vmem>>
        %dma_wait3A_68 = tpu.memref_squeeze %dma_wait3A_67 : memref<1x104xi32, #tpu.memory_space<vmem>> -> memref<104xi32, #tpu.memory_space<vmem>>
        %dma_wait3A_69 = arith.constant 0 : i32
        %dma_wait3A_70 = arith.constant 0 : i32
        %dma_wait3A_71 = tpu.memref_slice %arg11[%dma_wait3A_69, %dma_wait3A_70] : memref<10008x128xf32, #tpu.memory_space<vmem_shared>> -> memref<10008x128xf32, #tpu.memory_space<vmem_shared>>
        tpu.wait_indirect_dma semaphore(%run_scoped3A_59 : memref<!tpu.dma_semaphore, #tpu.memory_space<semaphore_mem>>) src(%arg10 : memref<104x128xf32, #tpu.memory_space<vmem>>) dst(%dma_wait3A_71 : memref<10008x128xf32, #tpu.memory_space<vmem_shared>>)
        tpu.yield
      }) : () -> ()
    }
    %scan3A_11 = arith.constant 48 : i32
    %dma_wait3A = arith.constant 0 : i32
    %dma_wait3A_12 = arith.constant 0 : i32
    %dma_wait3A_13 = tpu.memref_slice %arg2[%dma_wait3A, %dma_wait3A_12] : memref<20000x128xf32, #tpu.memory_space<hbm>> -> memref<104x128xf32, #tpu.memory_space<hbm>>
    %dma_wait3A_14 = arith.constant 0 : i32
    %dma_wait3A_15 = arith.constant 0 : i32
    %dma_wait3A_16 = tpu.memref_slice %arg2[%dma_wait3A_14, %dma_wait3A_15] : memref<20000x128xf32, #tpu.memory_space<hbm>> -> memref<104x128xf32, #tpu.memory_space<hbm>>
    tpu.wait_dma2 semaphore(%arg12 : memref<!tpu.dma_semaphore, #tpu.memory_space<semaphore_mem>>) src(%dma_wait3A_16 : memref<104x128xf32, #tpu.memory_space<hbm>>) dst(%arg9 : memref<104x128xf32, #tpu.memory_space<vmem>>)
    %run_scoped3A = arith.constant 96 : i32
    "tpu.region"() ({
      %run_scoped3A_27 = tpu.sem_alloc : memref<!tpu.dma_semaphore, #tpu.memory_space<semaphore_mem>>
      %dma_start3A_28 = arith.constant 0 : i32
      %dma_start3A_29 = tpu.memref_slice %arg8[%run_scoped3A, %dma_start3A_28] : memref<97x104xi32, #tpu.memory_space<vmem>> -> memref<1x104xi32, #tpu.memory_space<vmem>>
      %dma_start3A_30 = tpu.memref_squeeze %dma_start3A_29 : memref<1x104xi32, #tpu.memory_space<vmem>> -> memref<104xi32, #tpu.memory_space<vmem>>
      %dma_start3A_31 = arith.constant 0 : i32
      %dma_start3A_32 = arith.constant 0 : i32
      %dma_start3A_33 = tpu.memref_slice %arg11[%dma_start3A_31, %dma_start3A_32] : memref<10008x128xf32, #tpu.memory_space<vmem_shared>> -> memref<10008x128xf32, #tpu.memory_space<vmem_shared>>
      tpu.enqueue_indirect_dma source(%arg9 : memref<104x128xf32, #tpu.memory_space<vmem>>) target(%dma_start3A_33 : memref<10008x128xf32, #tpu.memory_space<vmem_shared>>) offsets(%dma_start3A_30 : memref<104xi32, #tpu.memory_space<vmem>>) semaphore(%run_scoped3A_27 : memref<!tpu.dma_semaphore, #tpu.memory_space<semaphore_mem>>) {add = true}
      %dma_wait3A_34 = arith.constant 0 : i32
      %dma_wait3A_35 = tpu.memref_slice %arg8[%run_scoped3A, %dma_wait3A_34] : memref<97x104xi32, #tpu.memory_space<vmem>> -> memref<1x104xi32, #tpu.memory_space<vmem>>
      %dma_wait3A_36 = tpu.memref_squeeze %dma_wait3A_35 : memref<1x104xi32, #tpu.memory_space<vmem>> -> memref<104xi32, #tpu.memory_space<vmem>>
      %dma_wait3A_37 = arith.constant 0 : i32
      %dma_wait3A_38 = arith.constant 0 : i32
      %dma_wait3A_39 = tpu.memref_slice %arg11[%dma_wait3A_37, %dma_wait3A_38] : memref<10008x128xf32, #tpu.memory_space<vmem_shared>> -> memref<10008x128xf32, #tpu.memory_space<vmem_shared>>
      tpu.wait_indirect_dma semaphore(%run_scoped3A_27 : memref<!tpu.dma_semaphore, #tpu.memory_space<semaphore_mem>>) src(%arg9 : memref<104x128xf32, #tpu.memory_space<vmem>>) dst(%dma_wait3A_39 : memref<10008x128xf32, #tpu.memory_space<vmem_shared>>)
      tpu.yield
    }) : () -> ()
    %barrier3A_17 = arith.constant 0 : index
    tpu.barrier barrier_id(%barrier3A_17)
    %mul3A_18 = arith.constant 624 : i32
    %mul3A_19 = arith.muli %arg1, %mul3A_18 : i32
    %mul3A_20 = arith.constant 624 : i32
    %mul3A_21 = arith.muli %arg1, %mul3A_20 : i32
    "tpu.region"() ({
      %run_scoped3A_27 = tpu.sem_alloc : memref<!tpu.dma_semaphore, #tpu.memory_space<semaphore_mem>>
      %dma_start3A_28 = arith.constant 0 : i32
      %dma_start3A_29 = tpu.memref_slice %arg6[%arg0, %mul3A_21, %dma_start3A_28] : memref<2x10000x128xf32, #tpu.memory_space<hbm>> -> memref<1x624x128xf32, #tpu.memory_space<hbm>>
      %dma_start3A_30 = tpu.memref_squeeze %dma_start3A_29 : memref<1x624x128xf32, #tpu.memory_space<hbm>> -> memref<624x128xf32, #tpu.memory_space<hbm>>
      %dma_start3A_31 = arith.constant 0 : i32
      %dma_start3A_32 = tpu.memref_slice %arg11[%mul3A_19, %dma_start3A_31] : memref<10008x128xf32, #tpu.memory_space<vmem_shared>> -> memref<624x128xf32, #tpu.memory_space<vmem_shared>>
      tpu.enqueue_dma source(%dma_start3A_32 : memref<624x128xf32, #tpu.memory_space<vmem_shared>>) target(%dma_start3A_30 : memref<624x128xf32, #tpu.memory_space<hbm>>) target_semaphore(%run_scoped3A_27 : memref<!tpu.dma_semaphore, #tpu.memory_space<semaphore_mem>>)
      %dma_wait3A_33 = arith.constant 0 : i32
      %dma_wait3A_34 = tpu.memref_slice %arg6[%arg0, %mul3A_21, %dma_wait3A_33] : memref<2x10000x128xf32, #tpu.memory_space<hbm>> -> memref<1x624x128xf32, #tpu.memory_space<hbm>>
      %dma_wait3A_35 = tpu.memref_squeeze %dma_wait3A_34 : memref<1x624x128xf32, #tpu.memory_space<hbm>> -> memref<624x128xf32, #tpu.memory_space<hbm>>
      %dma_wait3A_36 = arith.constant 0 : i32
      %dma_wait3A_37 = tpu.memref_slice %arg11[%mul3A_19, %dma_wait3A_36] : memref<10008x128xf32, #tpu.memory_space<vmem_shared>> -> memref<624x128xf32, #tpu.memory_space<vmem_shared>>
      tpu.wait_dma2 semaphore(%run_scoped3A_27 : memref<!tpu.dma_semaphore, #tpu.memory_space<semaphore_mem>>) src(%dma_wait3A_37 : memref<624x128xf32, #tpu.memory_space<vmem_shared>>) dst(%dma_wait3A_35 : memref<624x128xf32, #tpu.memory_space<hbm>>)
      tpu.yield
    }) : () -> ()
    %eq3A_22 = arith.constant 15 : i32
    %eq3A_23 = arith.cmpi eq, %arg1, %eq3A_22 : i32
    %convert_element_type3A_24 = arith.extui %eq3A_23 : i1 to i32
    %cond3A_25 = arith.constant 0 : i32
    %cond3A_26 = arith.cmpi ne, %convert_element_type3A_24, %cond3A_25 : i32
    scf.if %cond3A_26 {
      "tpu.region"() ({
        %run_scoped3A_27 = tpu.sem_alloc : memref<!tpu.dma_semaphore, #tpu.memory_space<semaphore_mem>>
        %dma_start3A_28 = arith.constant 9984 : i32
        %dma_start3A_29 = arith.constant 0 : i32
        %dma_start3A_30 = tpu.memref_slice %arg6[%arg0, %dma_start3A_28, %dma_start3A_29] : memref<2x10000x128xf32, #tpu.memory_space<hbm>> -> memref<1x16x128xf32, #tpu.memory_space<hbm>>
        %dma_start3A_31 = tpu.memref_squeeze %dma_start3A_30 : memref<1x16x128xf32, #tpu.memory_space<hbm>> -> memref<16x128xf32, #tpu.memory_space<hbm>>
        %dma_start3A_32 = arith.constant 9984 : i32
        %dma_start3A_33 = arith.constant 0 : i32
        %dma_start3A_34 = tpu.memref_slice %arg11[%dma_start3A_32, %dma_start3A_33] : memref<10008x128xf32, #tpu.memory_space<vmem_shared>> -> memref<16x128xf32, #tpu.memory_space<vmem_shared>>
        tpu.enqueue_dma source(%dma_start3A_34 : memref<16x128xf32, #tpu.memory_space<vmem_shared>>) target(%dma_start3A_31 : memref<16x128xf32, #tpu.memory_space<hbm>>) target_semaphore(%run_scoped3A_27 : memref<!tpu.dma_semaphore, #tpu.memory_space<semaphore_mem>>)
        %dma_wait3A_35 = arith.constant 9984 : i32
        %dma_wait3A_36 = arith.constant 0 : i32
        %dma_wait3A_37 = tpu.memref_slice %arg6[%arg0, %dma_wait3A_35, %dma_wait3A_36] : memref<2x10000x128xf32, #tpu.memory_space<hbm>> -> memref<1x16x128xf32, #tpu.memory_space<hbm>>
        %dma_wait3A_38 = tpu.memref_squeeze %dma_wait3A_37 : memref<1x16x128xf32, #tpu.memory_space<hbm>> -> memref<16x128xf32, #tpu.memory_space<hbm>>
        %dma_wait3A_39 = arith.constant 9984 : i32
        %dma_wait3A_40 = arith.constant 0 : i32
        %dma_wait3A_41 = tpu.memref_slice %arg11[%dma_wait3A_39, %dma_wait3A_40] : memref<10008x128xf32, #tpu.memory_space<vmem_shared>> -> memref<16x128xf32, #tpu.memory_space<vmem_shared>>
        tpu.wait_dma2 semaphore(%run_scoped3A_27 : memref<!tpu.dma_semaphore, #tpu.memory_space<semaphore_mem>>) src(%dma_wait3A_41 : memref<16x128xf32, #tpu.memory_space<vmem_shared>>) dst(%dma_wait3A_38 : memref<16x128xf32, #tpu.memory_space<hbm>>)
        tpu.yield
      }) : () -> ()
    } else {
    }
    return
  }
}

#map = affine_map<(d0, d1) -> (0, 0)>
#map1 = affine_map<(d0, d1) -> (0, 0, 0)>
module attributes {stable_mosaic.version = 14 : i64} {
  func.func @_sc_agg_kernel(%arg0: i32, %arg1: i32, %arg2: memref<20000x128xf32, #tpu.memory_space<hbm>>, %arg3: memref<2x16x10088xi32, #tpu.memory_space<hbm>>, %arg4: memref<16x97x104xi32, #tpu.memory_space<hbm>>, %arg5: memref<624x128xf32, #tpu.memory_space<hbm>>, %arg6: memref<2x10000x128xf32, #tpu.memory_space<hbm>>, %arg7: memref<10088xi32, #tpu.memory_space<vmem>>, %arg8: memref<97x104xi32, #tpu.memory_space<vmem>>, %arg9: memref<104x128xf32, #tpu.memory_space<vmem>>, %arg10: memref<104x128xf32, #tpu.memory_space<vmem>>, %arg11: memref<10008x128xf32, #tpu.memory_space<vmem_shared>>, %arg12: memref<!tpu.dma_semaphore, #tpu.memory_space<semaphore_mem>>, %arg13: memref<!tpu.dma_semaphore, #tpu.memory_space<semaphore_mem>>) attributes {dimension_semantics = [#tpu.dimension_semantics<core_parallel>, #tpu.dimension_semantics<subcore_parallel>], iteration_bounds = array<i64: 2, 16>, scalar_prefetch = 0 : i64, scratch_operands = 7 : i64, tpu.core_type = #tpu.core_type<sc_vector_subcore>, window_params = [{transform_indices = #map}, {transform_indices = #map1}, {transform_indices = #map1}, {transform_indices = #map}, {transform_indices = #map1}]} {
    "tpu.region"() ({
      %run_scoped3A_27 = tpu.sem_alloc : memref<!tpu.dma_semaphore, #tpu.memory_space<semaphore_mem>>
      %dma_start3A_28 = arith.constant 0 : i32
      %dma_start3A_29 = tpu.memref_slice %arg3[%arg0, %arg1, %dma_start3A_28] : memref<2x16x10088xi32, #tpu.memory_space<hbm>> -> memref<1x1x10088xi32, #tpu.memory_space<hbm>>
      %dma_start3A_30 = tpu.memref_squeeze %dma_start3A_29 : memref<1x1x10088xi32, #tpu.memory_space<hbm>> -> memref<10088xi32, #tpu.memory_space<hbm>>
      %dma_start3A_31 = arith.constant 0 : i32
      %dma_start3A_32 = tpu.memref_slice %arg3[%arg0, %arg1, %dma_start3A_31] : memref<2x16x10088xi32, #tpu.memory_space<hbm>> -> memref<1x1x10088xi32, #tpu.memory_space<hbm>>
      %dma_start3A_33 = tpu.memref_squeeze %dma_start3A_32 : memref<1x1x10088xi32, #tpu.memory_space<hbm>> -> memref<10088xi32, #tpu.memory_space<hbm>>
      tpu.enqueue_dma source(%dma_start3A_33 : memref<10088xi32, #tpu.memory_space<hbm>>) target(%arg7 : memref<10088xi32, #tpu.memory_space<vmem>>) target_semaphore(%run_scoped3A_27 : memref<!tpu.dma_semaphore, #tpu.memory_space<semaphore_mem>>)
      %dma_wait3A_34 = arith.constant 0 : i32
      %dma_wait3A_35 = tpu.memref_slice %arg3[%arg0, %arg1, %dma_wait3A_34] : memref<2x16x10088xi32, #tpu.memory_space<hbm>> -> memref<1x1x10088xi32, #tpu.memory_space<hbm>>
      %dma_wait3A_36 = tpu.memref_squeeze %dma_wait3A_35 : memref<1x1x10088xi32, #tpu.memory_space<hbm>> -> memref<10088xi32, #tpu.memory_space<hbm>>
      %dma_wait3A_37 = arith.constant 0 : i32
      %dma_wait3A_38 = tpu.memref_slice %arg3[%arg0, %arg1, %dma_wait3A_37] : memref<2x16x10088xi32, #tpu.memory_space<hbm>> -> memref<1x1x10088xi32, #tpu.memory_space<hbm>>
      %dma_wait3A_39 = tpu.memref_squeeze %dma_wait3A_38 : memref<1x1x10088xi32, #tpu.memory_space<hbm>> -> memref<10088xi32, #tpu.memory_space<hbm>>
      tpu.wait_dma2 semaphore(%run_scoped3A_27 : memref<!tpu.dma_semaphore, #tpu.memory_space<semaphore_mem>>) src(%dma_wait3A_39 : memref<10088xi32, #tpu.memory_space<hbm>>) dst(%arg7 : memref<10088xi32, #tpu.memory_space<vmem>>)
      tpu.yield
    }) : () -> ()
    "tpu.region"() ({
      %run_scoped3A_27 = tpu.sem_alloc : memref<!tpu.dma_semaphore, #tpu.memory_space<semaphore_mem>>
      %dma_start3A_28 = arith.constant 0 : i32
      %dma_start3A_29 = arith.constant 0 : i32
      %dma_start3A_30 = tpu.memref_slice %arg4[%arg1, %dma_start3A_28, %dma_start3A_29] : memref<16x97x104xi32, #tpu.memory_space<hbm>> -> memref<1x97x104xi32, #tpu.memory_space<hbm>>
      %dma_start3A_31 = tpu.memref_squeeze %dma_start3A_30 : memref<1x97x104xi32, #tpu.memory_space<hbm>> -> memref<97x104xi32, #tpu.memory_space<hbm>>
      %dma_start3A_32 = arith.constant 0 : i32
      %dma_start3A_33 = arith.constant 0 : i32
      %dma_start3A_34 = tpu.memref_slice %arg4[%arg1, %dma_start3A_32, %dma_start3A_33] : memref<16x97x104xi32, #tpu.memory_space<hbm>> -> memref<1x97x104xi32, #tpu.memory_space<hbm>>
      %dma_start3A_35 = tpu.memref_squeeze %dma_start3A_34 : memref<1x97x104xi32, #tpu.memory_space<hbm>> -> memref<97x104xi32, #tpu.memory_space<hbm>>
      tpu.enqueue_dma source(%dma_start3A_35 : memref<97x104xi32, #tpu.memory_space<hbm>>) target(%arg8 : memref<97x104xi32, #tpu.memory_space<vmem>>) target_semaphore(%run_scoped3A_27 : memref<!tpu.dma_semaphore, #tpu.memory_space<semaphore_mem>>)
      %dma_wait3A_36 = arith.constant 0 : i32
      %dma_wait3A_37 = arith.constant 0 : i32
      %dma_wait3A_38 = tpu.memref_slice %arg4[%arg1, %dma_wait3A_36, %dma_wait3A_37] : memref<16x97x104xi32, #tpu.memory_space<hbm>> -> memref<1x97x104xi32, #tpu.memory_space<hbm>>
      %dma_wait3A_39 = tpu.memref_squeeze %dma_wait3A_38 : memref<1x97x104xi32, #tpu.memory_space<hbm>> -> memref<97x104xi32, #tpu.memory_space<hbm>>
      %dma_wait3A_40 = arith.constant 0 : i32
      %dma_wait3A_41 = arith.constant 0 : i32
      %dma_wait3A_42 = tpu.memref_slice %arg4[%arg1, %dma_wait3A_40, %dma_wait3A_41] : memref<16x97x104xi32, #tpu.memory_space<hbm>> -> memref<1x97x104xi32, #tpu.memory_space<hbm>>
      %dma_wait3A_43 = tpu.memref_squeeze %dma_wait3A_42 : memref<1x97x104xi32, #tpu.memory_space<hbm>> -> memref<97x104xi32, #tpu.memory_space<hbm>>
      tpu.wait_dma2 semaphore(%run_scoped3A_27 : memref<!tpu.dma_semaphore, #tpu.memory_space<semaphore_mem>>) src(%dma_wait3A_43 : memref<97x104xi32, #tpu.memory_space<hbm>>) dst(%arg8 : memref<97x104xi32, #tpu.memory_space<vmem>>)
      tpu.yield
    }) : () -> ()
    %mul3A = arith.constant 624 : i32
    %mul3A_0 = arith.muli %arg1, %mul3A : i32
    "tpu.region"() ({
      %run_scoped3A_27 = tpu.sem_alloc : memref<!tpu.dma_semaphore, #tpu.memory_space<semaphore_mem>>
      %dma_start3A_28 = arith.constant 0 : i32
      %dma_start3A_29 = tpu.memref_slice %arg11[%mul3A_0, %dma_start3A_28] : memref<10008x128xf32, #tpu.memory_space<vmem_shared>> -> memref<624x128xf32, #tpu.memory_space<vmem_shared>>
      %dma_start3A_30 = arith.constant 0 : i32
      %dma_start3A_31 = arith.constant 0 : i32
      %dma_start3A_32 = tpu.memref_slice %arg5[%dma_start3A_30, %dma_start3A_31] : memref<624x128xf32, #tpu.memory_space<hbm>> -> memref<624x128xf32, #tpu.memory_space<hbm>>
      tpu.enqueue_dma source(%dma_start3A_32 : memref<624x128xf32, #tpu.memory_space<hbm>>) target(%dma_start3A_29 : memref<624x128xf32, #tpu.memory_space<vmem_shared>>) target_semaphore(%run_scoped3A_27 : memref<!tpu.dma_semaphore, #tpu.memory_space<semaphore_mem>>)
      %dma_wait3A_33 = arith.constant 0 : i32
      %dma_wait3A_34 = tpu.memref_slice %arg11[%mul3A_0, %dma_wait3A_33] : memref<10008x128xf32, #tpu.memory_space<vmem_shared>> -> memref<624x128xf32, #tpu.memory_space<vmem_shared>>
      %dma_wait3A_35 = arith.constant 0 : i32
      %dma_wait3A_36 = arith.constant 0 : i32
      %dma_wait3A_37 = tpu.memref_slice %arg5[%dma_wait3A_35, %dma_wait3A_36] : memref<624x128xf32, #tpu.memory_space<hbm>> -> memref<624x128xf32, #tpu.memory_space<hbm>>
      tpu.wait_dma2 semaphore(%run_scoped3A_27 : memref<!tpu.dma_semaphore, #tpu.memory_space<semaphore_mem>>) src(%dma_wait3A_37 : memref<624x128xf32, #tpu.memory_space<hbm>>) dst(%dma_wait3A_34 : memref<624x128xf32, #tpu.memory_space<vmem_shared>>)
      tpu.yield
    }) : () -> ()
    %eq3A = arith.constant 15 : i32
    %eq3A_1 = arith.cmpi eq, %arg1, %eq3A : i32
    %convert_element_type3A = arith.extui %eq3A_1 : i1 to i32
    %cond3A = arith.constant 0 : i32
    %cond3A_2 = arith.cmpi ne, %convert_element_type3A, %cond3A : i32
    scf.if %cond3A_2 {
      "tpu.region"() ({
        %run_scoped3A_27 = tpu.sem_alloc : memref<!tpu.dma_semaphore, #tpu.memory_space<semaphore_mem>>
        %dma_start3A_28 = arith.constant 9984 : i32
        %dma_start3A_29 = arith.constant 0 : i32
        %dma_start3A_30 = tpu.memref_slice %arg11[%dma_start3A_28, %dma_start3A_29] : memref<10008x128xf32, #tpu.memory_space<vmem_shared>> -> memref<24x128xf32, #tpu.memory_space<vmem_shared>>
        %dma_start3A_31 = arith.constant 0 : i32
        %dma_start3A_32 = arith.constant 0 : i32
        %dma_start3A_33 = tpu.memref_slice %arg5[%dma_start3A_31, %dma_start3A_32] : memref<624x128xf32, #tpu.memory_space<hbm>> -> memref<24x128xf32, #tpu.memory_space<hbm>>
        tpu.enqueue_dma source(%dma_start3A_33 : memref<24x128xf32, #tpu.memory_space<hbm>>) target(%dma_start3A_30 : memref<24x128xf32, #tpu.memory_space<vmem_shared>>) target_semaphore(%run_scoped3A_27 : memref<!tpu.dma_semaphore, #tpu.memory_space<semaphore_mem>>)
        %dma_wait3A_34 = arith.constant 9984 : i32
        %dma_wait3A_35 = arith.constant 0 : i32
        %dma_wait3A_36 = tpu.memref_slice %arg11[%dma_wait3A_34, %dma_wait3A_35] : memref<10008x128xf32, #tpu.memory_space<vmem_shared>> -> memref<24x128xf32, #tpu.memory_space<vmem_shared>>
        %dma_wait3A_37 = arith.constant 0 : i32
        %dma_wait3A_38 = arith.constant 0 : i32
        %dma_wait3A_39 = tpu.memref_slice %arg5[%dma_wait3A_37, %dma_wait3A_38] : memref<624x128xf32, #tpu.memory_space<hbm>> -> memref<24x128xf32, #tpu.memory_space<hbm>>
        tpu.wait_dma2 semaphore(%run_scoped3A_27 : memref<!tpu.dma_semaphore, #tpu.memory_space<semaphore_mem>>) src(%dma_wait3A_39 : memref<24x128xf32, #tpu.memory_space<hbm>>) dst(%dma_wait3A_36 : memref<24x128xf32, #tpu.memory_space<vmem_shared>>)
        tpu.yield
      }) : () -> ()
    } else {
    }
    %barrier3A = arith.constant 0 : index
    tpu.barrier barrier_id(%barrier3A)
    %dma_start3A = arith.constant 0 : i32
    %dma_start3A_3 = tpu.memref_slice %arg7[%dma_start3A] : memref<10088xi32, #tpu.memory_space<vmem>> -> memref<104xi32, #tpu.memory_space<vmem>>
    %dma_start3A_4 = arith.constant 0 : i32
    %dma_start3A_5 = arith.constant 0 : i32
    %dma_start3A_6 = tpu.memref_slice %arg2[%dma_start3A_4, %dma_start3A_5] : memref<20000x128xf32, #tpu.memory_space<hbm>> -> memref<20000x128xf32, #tpu.memory_space<hbm>>
    tpu.enqueue_indirect_dma source(%dma_start3A_6 : memref<20000x128xf32, #tpu.memory_space<hbm>>) target(%arg9 : memref<104x128xf32, #tpu.memory_space<vmem>>) offsets(%dma_start3A_3 : memref<104xi32, #tpu.memory_space<vmem>>) semaphore(%arg12 : memref<!tpu.dma_semaphore, #tpu.memory_space<semaphore_mem>>)
    %scan3A = arith.constant 0 : i32
    %scan3A_7 = arith.constant 0 : i32
    %scan3A_8 = arith.constant 48 : i32
    %scan3A_9 = arith.addi %scan3A_7, %scan3A_8 : i32
    %scan3A_10 = arith.constant 1 : i32
    scf.for %scan3A_27 = %scan3A_7 to %scan3A_9 step %scan3A_10  : i32 {
      %mul3A_28 = arith.constant 2 : i32
      %mul3A_29 = arith.muli %mul3A_28, %scan3A_27 : i32
      %dma_wait3A_30 = arith.constant 0 : i32
      %dma_wait3A_31 = arith.constant 0 : i32
      %dma_wait3A_32 = tpu.memref_slice %arg2[%dma_wait3A_30, %dma_wait3A_31] : memref<20000x128xf32, #tpu.memory_space<hbm>> -> memref<104x128xf32, #tpu.memory_space<hbm>>
      %dma_wait3A_33 = arith.constant 0 : i32
      %dma_wait3A_34 = arith.constant 0 : i32
      %dma_wait3A_35 = tpu.memref_slice %arg2[%dma_wait3A_33, %dma_wait3A_34] : memref<20000x128xf32, #tpu.memory_space<hbm>> -> memref<104x128xf32, #tpu.memory_space<hbm>>
      tpu.wait_dma2 semaphore(%arg12 : memref<!tpu.dma_semaphore, #tpu.memory_space<semaphore_mem>>) src(%dma_wait3A_35 : memref<104x128xf32, #tpu.memory_space<hbm>>) dst(%arg9 : memref<104x128xf32, #tpu.memory_space<vmem>>)
      %add3A = arith.constant 1 : i32
      %add3A_36 = arith.addi %mul3A_29, %add3A : i32
      %mul3A_37 = arith.constant 104 : i32
      %mul3A_38 = arith.muli %add3A_36, %mul3A_37 : i32
      %dma_start3A_39 = tpu.memref_slice %arg7[%mul3A_38] : memref<10088xi32, #tpu.memory_space<vmem>> -> memref<104xi32, #tpu.memory_space<vmem>>
      %dma_start3A_40 = arith.constant 0 : i32
      %dma_start3A_41 = arith.constant 0 : i32
      %dma_start3A_42 = tpu.memref_slice %arg2[%dma_start3A_40, %dma_start3A_41] : memref<20000x128xf32, #tpu.memory_space<hbm>> -> memref<20000x128xf32, #tpu.memory_space<hbm>>
      tpu.enqueue_indirect_dma source(%dma_start3A_42 : memref<20000x128xf32, #tpu.memory_space<hbm>>) target(%arg10 : memref<104x128xf32, #tpu.memory_space<vmem>>) offsets(%dma_start3A_39 : memref<104xi32, #tpu.memory_space<vmem>>) semaphore(%arg13 : memref<!tpu.dma_semaphore, #tpu.memory_space<semaphore_mem>>)
      "tpu.region"() ({
        %run_scoped3A_59 = tpu.sem_alloc : memref<!tpu.dma_semaphore, #tpu.memory_space<semaphore_mem>>
        %dma_start3A_60 = arith.constant 0 : i32
        %dma_start3A_61 = tpu.memref_slice %arg8[%mul3A_29, %dma_start3A_60] : memref<97x104xi32, #tpu.memory_space<vmem>> -> memref<1x104xi32, #tpu.memory_space<vmem>>
        %dma_start3A_62 = tpu.memref_squeeze %dma_start3A_61 : memref<1x104xi32, #tpu.memory_space<vmem>> -> memref<104xi32, #tpu.memory_space<vmem>>
        %dma_start3A_63 = arith.constant 0 : i32
        %dma_start3A_64 = arith.constant 0 : i32
        %dma_start3A_65 = tpu.memref_slice %arg11[%dma_start3A_63, %dma_start3A_64] : memref<10008x128xf32, #tpu.memory_space<vmem_shared>> -> memref<10008x128xf32, #tpu.memory_space<vmem_shared>>
        tpu.enqueue_indirect_dma source(%arg9 : memref<104x128xf32, #tpu.memory_space<vmem>>) target(%dma_start3A_65 : memref<10008x128xf32, #tpu.memory_space<vmem_shared>>) offsets(%dma_start3A_62 : memref<104xi32, #tpu.memory_space<vmem>>) semaphore(%run_scoped3A_59 : memref<!tpu.dma_semaphore, #tpu.memory_space<semaphore_mem>>) {add = true}
        %dma_wait3A_66 = arith.constant 0 : i32
        %dma_wait3A_67 = tpu.memref_slice %arg8[%mul3A_29, %dma_wait3A_66] : memref<97x104xi32, #tpu.memory_space<vmem>> -> memref<1x104xi32, #tpu.memory_space<vmem>>
        %dma_wait3A_68 = tpu.memref_squeeze %dma_wait3A_67 : memref<1x104xi32, #tpu.memory_space<vmem>> -> memref<104xi32, #tpu.memory_space<vmem>>
        %dma_wait3A_69 = arith.constant 0 : i32
        %dma_wait3A_70 = arith.constant 0 : i32
        %dma_wait3A_71 = tpu.memref_slice %arg11[%dma_wait3A_69, %dma_wait3A_70] : memref<10008x128xf32, #tpu.memory_space<vmem_shared>> -> memref<10008x128xf32, #tpu.memory_space<vmem_shared>>
        tpu.wait_indirect_dma semaphore(%run_scoped3A_59 : memref<!tpu.dma_semaphore, #tpu.memory_space<semaphore_mem>>) src(%arg9 : memref<104x128xf32, #tpu.memory_space<vmem>>) dst(%dma_wait3A_71 : memref<10008x128xf32, #tpu.memory_space<vmem_shared>>)
        tpu.yield
      }) : () -> ()
      %dma_wait3A_43 = arith.constant 0 : i32
      %dma_wait3A_44 = arith.constant 0 : i32
      %dma_wait3A_45 = tpu.memref_slice %arg2[%dma_wait3A_43, %dma_wait3A_44] : memref<20000x128xf32, #tpu.memory_space<hbm>> -> memref<104x128xf32, #tpu.memory_space<hbm>>
      %dma_wait3A_46 = arith.constant 0 : i32
      %dma_wait3A_47 = arith.constant 0 : i32
      %dma_wait3A_48 = tpu.memref_slice %arg2[%dma_wait3A_46, %dma_wait3A_47] : memref<20000x128xf32, #tpu.memory_space<hbm>> -> memref<104x128xf32, #tpu.memory_space<hbm>>
      tpu.wait_dma2 semaphore(%arg13 : memref<!tpu.dma_semaphore, #tpu.memory_space<semaphore_mem>>) src(%dma_wait3A_48 : memref<104x128xf32, #tpu.memory_space<hbm>>) dst(%arg10 : memref<104x128xf32, #tpu.memory_space<vmem>>)
      %add3A_49 = arith.constant 2 : i32
      %add3A_50 = arith.addi %mul3A_29, %add3A_49 : i32
      %mul3A_51 = arith.constant 104 : i32
      %mul3A_52 = arith.muli %add3A_50, %mul3A_51 : i32
      %dma_start3A_53 = tpu.memref_slice %arg7[%mul3A_52] : memref<10088xi32, #tpu.memory_space<vmem>> -> memref<104xi32, #tpu.memory_space<vmem>>
      %dma_start3A_54 = arith.constant 0 : i32
      %dma_start3A_55 = arith.constant 0 : i32
      %dma_start3A_56 = tpu.memref_slice %arg2[%dma_start3A_54, %dma_start3A_55] : memref<20000x128xf32, #tpu.memory_space<hbm>> -> memref<20000x128xf32, #tpu.memory_space<hbm>>
      tpu.enqueue_indirect_dma source(%dma_start3A_56 : memref<20000x128xf32, #tpu.memory_space<hbm>>) target(%arg9 : memref<104x128xf32, #tpu.memory_space<vmem>>) offsets(%dma_start3A_53 : memref<104xi32, #tpu.memory_space<vmem>>) semaphore(%arg12 : memref<!tpu.dma_semaphore, #tpu.memory_space<semaphore_mem>>)
      %add3A_57 = arith.constant 1 : i32
      %add3A_58 = arith.addi %mul3A_29, %add3A_57 : i32
      "tpu.region"() ({
        %run_scoped3A_59 = tpu.sem_alloc : memref<!tpu.dma_semaphore, #tpu.memory_space<semaphore_mem>>
        %dma_start3A_60 = arith.constant 0 : i32
        %dma_start3A_61 = tpu.memref_slice %arg8[%add3A_58, %dma_start3A_60] : memref<97x104xi32, #tpu.memory_space<vmem>> -> memref<1x104xi32, #tpu.memory_space<vmem>>
        %dma_start3A_62 = tpu.memref_squeeze %dma_start3A_61 : memref<1x104xi32, #tpu.memory_space<vmem>> -> memref<104xi32, #tpu.memory_space<vmem>>
        %dma_start3A_63 = arith.constant 0 : i32
        %dma_start3A_64 = arith.constant 0 : i32
        %dma_start3A_65 = tpu.memref_slice %arg11[%dma_start3A_63, %dma_start3A_64] : memref<10008x128xf32, #tpu.memory_space<vmem_shared>> -> memref<10008x128xf32, #tpu.memory_space<vmem_shared>>
        tpu.enqueue_indirect_dma source(%arg10 : memref<104x128xf32, #tpu.memory_space<vmem>>) target(%dma_start3A_65 : memref<10008x128xf32, #tpu.memory_space<vmem_shared>>) offsets(%dma_start3A_62 : memref<104xi32, #tpu.memory_space<vmem>>) semaphore(%run_scoped3A_59 : memref<!tpu.dma_semaphore, #tpu.memory_space<semaphore_mem>>) {add = true}
        %dma_wait3A_66 = arith.constant 0 : i32
        %dma_wait3A_67 = tpu.memref_slice %arg8[%add3A_58, %dma_wait3A_66] : memref<97x104xi32, #tpu.memory_space<vmem>> -> memref<1x104xi32, #tpu.memory_space<vmem>>
        %dma_wait3A_68 = tpu.memref_squeeze %dma_wait3A_67 : memref<1x104xi32, #tpu.memory_space<vmem>> -> memref<104xi32, #tpu.memory_space<vmem>>
        %dma_wait3A_69 = arith.constant 0 : i32
        %dma_wait3A_70 = arith.constant 0 : i32
        %dma_wait3A_71 = tpu.memref_slice %arg11[%dma_wait3A_69, %dma_wait3A_70] : memref<10008x128xf32, #tpu.memory_space<vmem_shared>> -> memref<10008x128xf32, #tpu.memory_space<vmem_shared>>
        tpu.wait_indirect_dma semaphore(%run_scoped3A_59 : memref<!tpu.dma_semaphore, #tpu.memory_space<semaphore_mem>>) src(%arg10 : memref<104x128xf32, #tpu.memory_space<vmem>>) dst(%dma_wait3A_71 : memref<10008x128xf32, #tpu.memory_space<vmem_shared>>)
        tpu.yield
      }) : () -> ()
    }
    %scan3A_11 = arith.constant 48 : i32
    %dma_wait3A = arith.constant 0 : i32
    %dma_wait3A_12 = arith.constant 0 : i32
    %dma_wait3A_13 = tpu.memref_slice %arg2[%dma_wait3A, %dma_wait3A_12] : memref<20000x128xf32, #tpu.memory_space<hbm>> -> memref<104x128xf32, #tpu.memory_space<hbm>>
    %dma_wait3A_14 = arith.constant 0 : i32
    %dma_wait3A_15 = arith.constant 0 : i32
    %dma_wait3A_16 = tpu.memref_slice %arg2[%dma_wait3A_14, %dma_wait3A_15] : memref<20000x128xf32, #tpu.memory_space<hbm>> -> memref<104x128xf32, #tpu.memory_space<hbm>>
    tpu.wait_dma2 semaphore(%arg12 : memref<!tpu.dma_semaphore, #tpu.memory_space<semaphore_mem>>) src(%dma_wait3A_16 : memref<104x128xf32, #tpu.memory_space<hbm>>) dst(%arg9 : memref<104x128xf32, #tpu.memory_space<vmem>>)
    %run_scoped3A = arith.constant 96 : i32
    "tpu.region"() ({
      %run_scoped3A_27 = tpu.sem_alloc : memref<!tpu.dma_semaphore, #tpu.memory_space<semaphore_mem>>
      %dma_start3A_28 = arith.constant 0 : i32
      %dma_start3A_29 = tpu.memref_slice %arg8[%run_scoped3A, %dma_start3A_28] : memref<97x104xi32, #tpu.memory_space<vmem>> -> memref<1x104xi32, #tpu.memory_space<vmem>>
      %dma_start3A_30 = tpu.memref_squeeze %dma_start3A_29 : memref<1x104xi32, #tpu.memory_space<vmem>> -> memref<104xi32, #tpu.memory_space<vmem>>
      %dma_start3A_31 = arith.constant 0 : i32
      %dma_start3A_32 = arith.constant 0 : i32
      %dma_start3A_33 = tpu.memref_slice %arg11[%dma_start3A_31, %dma_start3A_32] : memref<10008x128xf32, #tpu.memory_space<vmem_shared>> -> memref<10008x128xf32, #tpu.memory_space<vmem_shared>>
      tpu.enqueue_indirect_dma source(%arg9 : memref<104x128xf32, #tpu.memory_space<vmem>>) target(%dma_start3A_33 : memref<10008x128xf32, #tpu.memory_space<vmem_shared>>) offsets(%dma_start3A_30 : memref<104xi32, #tpu.memory_space<vmem>>) semaphore(%run_scoped3A_27 : memref<!tpu.dma_semaphore, #tpu.memory_space<semaphore_mem>>) {add = true}
      %dma_wait3A_34 = arith.constant 0 : i32
      %dma_wait3A_35 = tpu.memref_slice %arg8[%run_scoped3A, %dma_wait3A_34] : memref<97x104xi32, #tpu.memory_space<vmem>> -> memref<1x104xi32, #tpu.memory_space<vmem>>
      %dma_wait3A_36 = tpu.memref_squeeze %dma_wait3A_35 : memref<1x104xi32, #tpu.memory_space<vmem>> -> memref<104xi32, #tpu.memory_space<vmem>>
      %dma_wait3A_37 = arith.constant 0 : i32
      %dma_wait3A_38 = arith.constant 0 : i32
      %dma_wait3A_39 = tpu.memref_slice %arg11[%dma_wait3A_37, %dma_wait3A_38] : memref<10008x128xf32, #tpu.memory_space<vmem_shared>> -> memref<10008x128xf32, #tpu.memory_space<vmem_shared>>
      tpu.wait_indirect_dma semaphore(%run_scoped3A_27 : memref<!tpu.dma_semaphore, #tpu.memory_space<semaphore_mem>>) src(%arg9 : memref<104x128xf32, #tpu.memory_space<vmem>>) dst(%dma_wait3A_39 : memref<10008x128xf32, #tpu.memory_space<vmem_shared>>)
      tpu.yield
    }) : () -> ()
    %barrier3A_17 = arith.constant 0 : index
    tpu.barrier barrier_id(%barrier3A_17)
    %mul3A_18 = arith.constant 624 : i32
    %mul3A_19 = arith.muli %arg1, %mul3A_18 : i32
    %mul3A_20 = arith.constant 624 : i32
    %mul3A_21 = arith.muli %arg1, %mul3A_20 : i32
    "tpu.region"() ({
      %run_scoped3A_27 = tpu.sem_alloc : memref<!tpu.dma_semaphore, #tpu.memory_space<semaphore_mem>>
      %dma_start3A_28 = arith.constant 0 : i32
      %dma_start3A_29 = tpu.memref_slice %arg6[%arg0, %mul3A_21, %dma_start3A_28] : memref<2x10000x128xf32, #tpu.memory_space<hbm>> -> memref<1x624x128xf32, #tpu.memory_space<hbm>>
      %dma_start3A_30 = tpu.memref_squeeze %dma_start3A_29 : memref<1x624x128xf32, #tpu.memory_space<hbm>> -> memref<624x128xf32, #tpu.memory_space<hbm>>
      %dma_start3A_31 = arith.constant 0 : i32
      %dma_start3A_32 = tpu.memref_slice %arg11[%mul3A_19, %dma_start3A_31] : memref<10008x128xf32, #tpu.memory_space<vmem_shared>> -> memref<624x128xf32, #tpu.memory_space<vmem_shared>>
      tpu.enqueue_dma source(%dma_start3A_32 : memref<624x128xf32, #tpu.memory_space<vmem_shared>>) target(%dma_start3A_30 : memref<624x128xf32, #tpu.memory_space<hbm>>) target_semaphore(%run_scoped3A_27 : memref<!tpu.dma_semaphore, #tpu.memory_space<semaphore_mem>>)
      %dma_wait3A_33 = arith.constant 0 : i32
      %dma_wait3A_34 = tpu.memref_slice %arg6[%arg0, %mul3A_21, %dma_wait3A_33] : memref<2x10000x128xf32, #tpu.memory_space<hbm>> -> memref<1x624x128xf32, #tpu.memory_space<hbm>>
      %dma_wait3A_35 = tpu.memref_squeeze %dma_wait3A_34 : memref<1x624x128xf32, #tpu.memory_space<hbm>> -> memref<624x128xf32, #tpu.memory_space<hbm>>
      %dma_wait3A_36 = arith.constant 0 : i32
      %dma_wait3A_37 = tpu.memref_slice %arg11[%mul3A_19, %dma_wait3A_36] : memref<10008x128xf32, #tpu.memory_space<vmem_shared>> -> memref<624x128xf32, #tpu.memory_space<vmem_shared>>
      tpu.wait_dma2 semaphore(%run_scoped3A_27 : memref<!tpu.dma_semaphore, #tpu.memory_space<semaphore_mem>>) src(%dma_wait3A_37 : memref<624x128xf32, #tpu.memory_space<vmem_shared>>) dst(%dma_wait3A_35 : memref<624x128xf32, #tpu.memory_space<hbm>>)
      tpu.yield
    }) : () -> ()
    %eq3A_22 = arith.constant 15 : i32
    %eq3A_23 = arith.cmpi eq, %arg1, %eq3A_22 : i32
    %convert_element_type3A_24 = arith.extui %eq3A_23 : i1 to i32
    %cond3A_25 = arith.constant 0 : i32
    %cond3A_26 = arith.cmpi ne, %convert_element_type3A_24, %cond3A_25 : i32
    scf.if %cond3A_26 {
      "tpu.region"() ({
        %run_scoped3A_27 = tpu.sem_alloc : memref<!tpu.dma_semaphore, #tpu.memory_space<semaphore_mem>>
        %dma_start3A_28 = arith.constant 9984 : i32
        %dma_start3A_29 = arith.constant 0 : i32
        %dma_start3A_30 = tpu.memref_slice %arg6[%arg0, %dma_start3A_28, %dma_start3A_29] : memref<2x10000x128xf32, #tpu.memory_space<hbm>> -> memref<1x16x128xf32, #tpu.memory_space<hbm>>
        %dma_start3A_31 = tpu.memref_squeeze %dma_start3A_30 : memref<1x16x128xf32, #tpu.memory_space<hbm>> -> memref<16x128xf32, #tpu.memory_space<hbm>>
        %dma_start3A_32 = arith.constant 9984 : i32
        %dma_start3A_33 = arith.constant 0 : i32
        %dma_start3A_34 = tpu.memref_slice %arg11[%dma_start3A_32, %dma_start3A_33] : memref<10008x128xf32, #tpu.memory_space<vmem_shared>> -> memref<16x128xf32, #tpu.memory_space<vmem_shared>>
        tpu.enqueue_dma source(%dma_start3A_34 : memref<16x128xf32, #tpu.memory_space<vmem_shared>>) target(%dma_start3A_31 : memref<16x128xf32, #tpu.memory_space<hbm>>) target_semaphore(%run_scoped3A_27 : memref<!tpu.dma_semaphore, #tpu.memory_space<semaphore_mem>>)
        %dma_wait3A_35 = arith.constant 9984 : i32
        %dma_wait3A_36 = arith.constant 0 : i32
        %dma_wait3A_37 = tpu.memref_slice %arg6[%arg0, %dma_wait3A_35, %dma_wait3A_36] : memref<2x10000x128xf32, #tpu.memory_space<hbm>> -> memref<1x16x128xf32, #tpu.memory_space<hbm>>
        %dma_wait3A_38 = tpu.memref_squeeze %dma_wait3A_37 : memref<1x16x128xf32, #tpu.memory_space<hbm>> -> memref<16x128xf32, #tpu.memory_space<hbm>>
        %dma_wait3A_39 = arith.constant 9984 : i32
        %dma_wait3A_40 = arith.constant 0 : i32
        %dma_wait3A_41 = tpu.memref_slice %arg11[%dma_wait3A_39, %dma_wait3A_40] : memref<10008x128xf32, #tpu.memory_space<vmem_shared>> -> memref<16x128xf32, #tpu.memory_space<vmem_shared>>
        tpu.wait_dma2 semaphore(%run_scoped3A_27 : memref<!tpu.dma_semaphore, #tpu.memory_space<semaphore_mem>>) src(%dma_wait3A_41 : memref<16x128xf32, #tpu.memory_space<vmem_shared>>) dst(%dma_wait3A_38 : memref<16x128xf32, #tpu.memory_space<hbm>>)
        tpu.yield
      }) : () -> ()
    } else {
    }
    return
  }
}

module attributes {stable_mosaic.version = 14 : i64} {
  func.func @_pre_kernel(%arg0: i32, %arg1: memref<1000x256xf32, #tpu.memory_space<vmem>>, %arg2: memref<256x256xf32, #tpu.memory_space<vmem>>, %arg3: memref<1x256xf32, #tpu.memory_space<vmem>>, %arg4: memref<1000x256xf32, #tpu.memory_space<vmem>>) attributes {dimension_semantics = [#tpu.dimension_semantics<arbitrary>], iteration_bounds = array<i64: 10>, scalar_prefetch = 0 : i64, scratch_operands = 0 : i64, tpu.core_type = #tpu.core_type<tc>, window_params = [{transform_indices = @transform_0, window_bounds = array<i64: 1000, 256>}, {pipeline_mode = #tpu.pipeline_mode<synchronous>, transform_indices = @transform_1, window_bounds = array<i64: 256, 256>}, {pipeline_mode = #tpu.pipeline_mode<synchronous>, transform_indices = @transform_2, window_bounds = array<i64: 1, 256>}, {transform_indices = @transform_3, window_bounds = array<i64: 1000, 256>}]} {
    %get3A = arith.constant 0 : index
    %get3A_0 = arith.constant 0 : index
    %get3A_1 = vector.load %arg1[%get3A, %get3A_0] : memref<1000x256xf32, #tpu.memory_space<vmem>>, vector<1000x256xf32>
    %get3A_2 = arith.constant 0 : index
    %get3A_3 = arith.constant 0 : index
    %get3A_4 = vector.load %arg2[%get3A_2, %get3A_3] : memref<256x256xf32, #tpu.memory_space<vmem>>, vector<256x256xf32>
    %dot_general3A = arith.constant dense<0.000000e+00> : vector<1000x256xf32>
    %dot_general3A_5 = tpu.matmul %get3A_1, %get3A_4, %dot_general3A {dimension_numbers = #tpu.dot_dimension_numbers<[1], [0], [0], [1], [0, 0, 1, 1], [], []>, transpose_lhs_hint = false} : vector<1000x256xf32>, vector<256x256xf32>, vector<1000x256xf32> -> vector<1000x256xf32>
    %get3A_6 = arith.constant 0 : index
    %get3A_7 = arith.constant 0 : index
    %get3A_8 = vector.load %arg3[%get3A_6, %get3A_7] : memref<1x256xf32, #tpu.memory_space<vmem>>, vector<1x256xf32>
    %add3A = vector.broadcast %get3A_8 : vector<1x256xf32> to vector<1000x256xf32>
    %add3A_9 = arith.addf %dot_general3A_5, %add3A : vector<1000x256xf32>
    %swap3A = arith.constant 0 : index
    %swap3A_10 = arith.constant 0 : index
    %swap3A_11 = vector.load %arg4[%swap3A, %swap3A_10] : memref<1000x256xf32, #tpu.memory_space<vmem>>, vector<1000x256xf32>
    tpu.vector_store %arg4[%swap3A, %swap3A_10], %add3A_9 {strides = array<i32>} : memref<1000x256xf32, #tpu.memory_space<vmem>>, vector<1000x256xf32>,
    return
  }
  func.func @transform_0(%arg0: i32) -> (i32, i32) {
    %c0_i32 = arith.constant 0 : i32
    %c0_i32_0 = arith.constant 0 : i32
    return %arg0, %c0_i32 : i32, i32
  }
  func.func @transform_1(%arg0: i32) -> (i32, i32) {
    %c0_i32 = arith.constant 0 : i32
    %c0_i32_0 = arith.constant 0 : i32
    %c0_i32_1 = arith.constant 0 : i32
    return %c0_i32, %c0_i32_0 : i32, i32
  }
  func.func @transform_2(%arg0: i32) -> (i32, i32) {
    %c0_i32 = arith.constant 0 : i32
    %c0_i32_0 = arith.constant 0 : i32
    %c0_i32_1 = arith.constant 0 : i32
    return %c0_i32, %c0_i32_0 : i32, i32
  }
  func.func @transform_3(%arg0: i32) -> (i32, i32) {
    %c0_i32 = arith.constant 0 : i32
    %c0_i32_0 = arith.constant 0 : i32
    return %arg0, %c0_i32 : i32, i32
  }
}

module attributes {stable_mosaic.version = 14 : i64} {
  func.func @_pool_post_kernel(%arg0: i32, %arg1: memref<1000x256xf32, #tpu.memory_space<vmem>>, %arg2: memref<1x1x1000xi32, #tpu.memory_space<vmem>>, %arg3: memref<256x256xf32, #tpu.memory_space<vmem>>, %arg4: memref<1x256xf32, #tpu.memory_space<vmem>>, %arg5: memref<256x16xf32, #tpu.memory_space<vmem>>, %arg6: memref<1x16xf32, #tpu.memory_space<vmem>>, %arg7: memref<64x16xf32, #tpu.memory_space<vmem>>, %arg8: memref<64x256xf32, #tpu.memory_space<vmem>>) attributes {dimension_semantics = [#tpu.dimension_semantics<arbitrary>], iteration_bounds = array<i64: 10>, scalar_prefetch = 0 : i64, scratch_operands = 1 : i64, tpu.core_type = #tpu.core_type<tc>, window_params = [{transform_indices = @transform_0, window_bounds = array<i64: 1000, 256>}, {transform_indices = @transform_1, window_bounds = array<i64: 1, 1, 1000>}, {pipeline_mode = #tpu.pipeline_mode<synchronous>, transform_indices = @transform_2, window_bounds = array<i64: 256, 256>}, {pipeline_mode = #tpu.pipeline_mode<synchronous>, transform_indices = @transform_3, window_bounds = array<i64: 1, 256>}, {pipeline_mode = #tpu.pipeline_mode<synchronous>, transform_indices = @transform_4, window_bounds = array<i64: 256, 16>}, {pipeline_mode = #tpu.pipeline_mode<synchronous>, transform_indices = @transform_5, window_bounds = array<i64: 1, 16>}, {pipeline_mode = #tpu.pipeline_mode<synchronous>, transform_indices = @transform_6, window_bounds = array<i64: 64, 16>}]} {
    %get3A = arith.constant 0 : index
    %get3A_0 = arith.constant 0 : index
    %get3A_1 = arith.constant 0 : index
    %get3A_2 = vector.load %arg2[%get3A, %get3A_0, %get3A_1] : memref<1x1x1000xi32, #tpu.memory_space<vmem>>, vector<1x1x1000xi32>
    %get3A_3 = vector.shape_cast %get3A_2 : vector<1x1x1000xi32> to vector<1x1000xi32>
    %iota3A = tpu.iota {dimensions = array<i32: 0>} : vector<64x1000xi32>
    %eq3A = vector.broadcast %get3A_3 : vector<1x1000xi32> to vector<64x1000xi32>
    %eq3A_4 = arith.cmpi eq, %iota3A, %eq3A : vector<64x1000xi32>
    %convert_element_type3A = arith.extui %eq3A_4 : vector<64x1000xi1> to vector<64x1000xi32>
    %convert_element_type3A_5 = arith.sitofp %convert_element_type3A : vector<64x1000xi32> to vector<64x1000xf32>
    %get3A_6 = arith.constant 0 : index
    %get3A_7 = arith.constant 0 : index
    %get3A_8 = vector.load %arg1[%get3A_6, %get3A_7] : memref<1000x256xf32, #tpu.memory_space<vmem>>, vector<1000x256xf32>
    %dot_general3A = arith.constant dense<0.000000e+00> : vector<64x256xf32>
    %dot_general3A_9 = tpu.matmul %convert_element_type3A_5, %get3A_8, %dot_general3A {dimension_numbers = #tpu.dot_dimension_numbers<[1], [0], [0], [1], [0, 0, 1, 1], [], []>, transpose_lhs_hint = false} : vector<64x1000xf32>, vector<1000x256xf32>, vector<64x256xf32> -> vector<64x256xf32>
    %eq3A_10 = arith.constant 0 : i32
    %eq3A_11 = arith.cmpi eq, %arg0, %eq3A_10 : i32
    %convert_element_type3A_12 = arith.extui %eq3A_11 : i1 to i32
    %cond3A = arith.constant 0 : i32
    %cond3A_13 = arith.cmpi ne, %convert_element_type3A_12, %cond3A : i32
    scf.if %cond3A_13 {
      %swap3A = arith.constant 0 : index
      %swap3A_23 = arith.constant 0 : index
      %swap3A_24 = vector.load %arg8[%swap3A, %swap3A_23] : memref<64x256xf32, #tpu.memory_space<vmem>>, vector<64x256xf32>
      tpu.vector_store %arg8[%swap3A, %swap3A_23], %dot_general3A_9 {strides = array<i32>} : memref<64x256xf32, #tpu.memory_space<vmem>>, vector<64x256xf32>,
    } else {
    }
    %gt3A = arith.constant 0 : i32
    %gt3A_14 = arith.cmpi sgt, %arg0, %gt3A : i32
    %convert_element_type3A_15 = arith.extui %gt3A_14 : i1 to i32
    %cond3A_16 = arith.constant 0 : i32
    %cond3A_17 = arith.cmpi ne, %convert_element_type3A_15, %cond3A_16 : i32
    scf.if %cond3A_17 {
      %get3A_23 = arith.constant 0 : index
      %get3A_24 = arith.constant 0 : index
      %get3A_25 = vector.load %arg8[%get3A_23, %get3A_24] : memref<64x256xf32, #tpu.memory_space<vmem>>, vector<64x256xf32>
      %add3A = arith.addf %get3A_25, %dot_general3A_9 : vector<64x256xf32>
      %swap3A = arith.constant 0 : index
      %swap3A_26 = arith.constant 0 : index
      %swap3A_27 = vector.load %arg8[%swap3A, %swap3A_26] : memref<64x256xf32, #tpu.memory_space<vmem>>, vector<64x256xf32>
      tpu.vector_store %arg8[%swap3A, %swap3A_26], %add3A {strides = array<i32>} : memref<64x256xf32, #tpu.memory_space<vmem>>, vector<64x256xf32>,
    } else {
    }
    %eq3A_18 = arith.constant 9 : i32
    %eq3A_19 = arith.cmpi eq, %arg0, %eq3A_18 : i32
    %convert_element_type3A_20 = arith.extui %eq3A_19 : i1 to i32
    %cond3A_21 = arith.constant 0 : i32
    %cond3A_22 = arith.cmpi ne, %convert_element_type3A_20, %cond3A_21 : i32
    scf.if %cond3A_22 {
      %get3A_23 = arith.constant 0 : index
      %get3A_24 = arith.constant 0 : index
      %get3A_25 = vector.load %arg8[%get3A_23, %get3A_24] : memref<64x256xf32, #tpu.memory_space<vmem>>, vector<64x256xf32>
      %get3A_26 = arith.constant 0 : index
      %get3A_27 = arith.constant 0 : index
      %get3A_28 = vector.load %arg3[%get3A_26, %get3A_27] : memref<256x256xf32, #tpu.memory_space<vmem>>, vector<256x256xf32>
      %dot_general3A_29 = arith.constant dense<0.000000e+00> : vector<64x256xf32>
      %dot_general3A_30 = tpu.matmul %get3A_25, %get3A_28, %dot_general3A_29 {dimension_numbers = #tpu.dot_dimension_numbers<[1], [0], [0], [1], [0, 0, 1, 1], [], []>, transpose_lhs_hint = false} : vector<64x256xf32>, vector<256x256xf32>, vector<64x256xf32> -> vector<64x256xf32>
      %get3A_31 = arith.constant 0 : index
      %get3A_32 = arith.constant 0 : index
      %get3A_33 = vector.load %arg4[%get3A_31, %get3A_32] : memref<1x256xf32, #tpu.memory_space<vmem>>, vector<1x256xf32>
      %add3A = vector.broadcast %get3A_33 : vector<1x256xf32> to vector<64x256xf32>
      %add3A_34 = arith.addf %dot_general3A_30, %add3A : vector<64x256xf32>
      %max3A = arith.constant 0.000000e+00 : f32
      %max3A_35 = vector.broadcast %max3A : f32 to vector<64x256xf32>
      %max3A_36 = arith.maximumf %add3A_34, %max3A_35 : vector<64x256xf32>
      %get3A_37 = arith.constant 0 : index
      %get3A_38 = arith.constant 0 : index
      %get3A_39 = vector.load %arg5[%get3A_37, %get3A_38] : memref<256x16xf32, #tpu.memory_space<vmem>>, vector<256x16xf32>
      %dot_general3A_40 = arith.constant dense<0.000000e+00> : vector<64x16xf32>
      %dot_general3A_41 = tpu.matmul %max3A_36, %get3A_39, %dot_general3A_40 {dimension_numbers = #tpu.dot_dimension_numbers<[1], [0], [0], [1], [0, 0, 1, 1], [], []>, transpose_lhs_hint = false} : vector<64x256xf32>, vector<256x16xf32>, vector<64x16xf32> -> vector<64x16xf32>
      %get3A_42 = arith.constant 0 : index
      %get3A_43 = arith.constant 0 : index
      %get3A_44 = vector.load %arg6[%get3A_42, %get3A_43] : memref<1x16xf32, #tpu.memory_space<vmem>>, vector<1x16xf32>
      %add3A_45 = vector.broadcast %get3A_44 : vector<1x16xf32> to vector<64x16xf32>
      %add3A_46 = arith.addf %dot_general3A_41, %add3A_45 : vector<64x16xf32>
      %reduce_max3A = arith.constant dense<0xFF800000> : vector<64xf32>
      %reduce_max3A_47 = vector.multi_reduction <maximumf>, %add3A_46, %reduce_max3A [1] : vector<64x16xf32> to vector<64xf32>
      %broadcast_in_dim3A = vector.shape_cast %reduce_max3A_47 : vector<64xf32> to vector<64x1xf32>
      %sub3A = vector.broadcast %broadcast_in_dim3A : vector<64x1xf32> to vector<64x16xf32>
      %sub3A_48 = arith.subf %add3A_46, %sub3A : vector<64x16xf32>
      %exp3A = math.exp %sub3A_48 : vector<64x16xf32>
      %reduce_sum3A = arith.constant dense<0.000000e+00> : vector<64xf32>
      %reduce_sum3A_49 = vector.multi_reduction <add>, %exp3A, %reduce_sum3A [1] : vector<64x16xf32> to vector<64xf32>
      %broadcast_in_dim3A_50 = vector.shape_cast %reduce_sum3A_49 : vector<64xf32> to vector<64x1xf32>
      %log3A = math.log %broadcast_in_dim3A_50 : vector<64x1xf32>
      %sub3A_51 = vector.broadcast %broadcast_in_dim3A : vector<64x1xf32> to vector<64x16xf32>
      %sub3A_52 = arith.subf %add3A_46, %sub3A_51 : vector<64x16xf32>
      %sub3A_53 = vector.broadcast %log3A : vector<64x1xf32> to vector<64x16xf32>
      %sub3A_54 = arith.subf %sub3A_52, %sub3A_53 : vector<64x16xf32>
      %swap3A = arith.constant 0 : index
      %swap3A_55 = arith.constant 0 : index
      %swap3A_56 = vector.load %arg7[%swap3A, %swap3A_55] : memref<64x16xf32, #tpu.memory_space<vmem>>, vector<64x16xf32>
      tpu.vector_store %arg7[%swap3A, %swap3A_55], %sub3A_54 {strides = array<i32>} : memref<64x16xf32, #tpu.memory_space<vmem>>, vector<64x16xf32>,
    } else {
    }
    return
  }
  func.func @transform_0(%arg0: i32) -> (i32, i32) {
    %c0_i32 = arith.constant 0 : i32
    %c0_i32_0 = arith.constant 0 : i32
    return %arg0, %c0_i32 : i32, i32
  }
  func.func @transform_1(%arg0: i32) -> (i32, i32, i32) {
    %c0_i32 = arith.constant 0 : i32
    %c0_i32_0 = arith.constant 0 : i32
    %c0_i32_1 = arith.constant 0 : i32
    return %arg0, %c0_i32, %c0_i32_0 : i32, i32, i32
  }
  func.func @transform_2(%arg0: i32) -> (i32, i32) {
    %c0_i32 = arith.constant 0 : i32
    %c0_i32_0 = arith.constant 0 : i32
    %c0_i32_1 = arith.constant 0 : i32
    return %c0_i32, %c0_i32_0 : i32, i32
  }
  func.func @transform_3(%arg0: i32) -> (i32, i32) {
    %c0_i32 = arith.constant 0 : i32
    %c0_i32_0 = arith.constant 0 : i32
    %c0_i32_1 = arith.constant 0 : i32
    return %c0_i32, %c0_i32_0 : i32, i32
  }
  func.func @transform_4(%arg0: i32) -> (i32, i32) {
    %c0_i32 = arith.constant 0 : i32
    %c0_i32_0 = arith.constant 0 : i32
    %c0_i32_1 = arith.constant 0 : i32
    return %c0_i32, %c0_i32_0 : i32, i32
  }
  func.func @transform_5(%arg0: i32) -> (i32, i32) {
    %c0_i32 = arith.constant 0 : i32
    %c0_i32_0 = arith.constant 0 : i32
    %c0_i32_1 = arith.constant 0 : i32
    return %c0_i32, %c0_i32_0 : i32, i32
  }
  func.func @transform_6(%arg0: i32) -> (i32, i32) {
    %c0_i32 = arith.constant 0 : i32
    %c0_i32_0 = arith.constant 0 : i32
    %c0_i32_1 = arith.constant 0 : i32
    return %c0_i32, %c0_i32_0 : i32, i32
  }
}

module attributes {stable_mosaic.version = 14 : i64} {
  func.func @_gin_mlp_kernel(%arg0: i32, %arg1: memref<1000x256xf32, #tpu.memory_space<vmem>>, %arg2: memref<2x1000x128xf32, #tpu.memory_space<vmem>>, %arg3: memref<256x256xf32, #tpu.memory_space<vmem>>, %arg4: memref<1x256xf32, #tpu.memory_space<vmem>>, %arg5: memref<256x256xf32, #tpu.memory_space<vmem>>, %arg6: memref<1x256xf32, #tpu.memory_space<vmem>>, %arg7: memref<1000x256xf32, #tpu.memory_space<vmem>>) attributes {dimension_semantics = [#tpu.dimension_semantics<arbitrary>], iteration_bounds = array<i64: 10>, scalar_prefetch = 0 : i64, scratch_operands = 0 : i64, tpu.core_type = #tpu.core_type<tc>, window_params = [{transform_indices = @transform_0, window_bounds = array<i64: 1000, 256>}, {transform_indices = @transform_1, window_bounds = array<i64: 2, 1000, 128>}, {pipeline_mode = #tpu.pipeline_mode<synchronous>, transform_indices = @transform_2, window_bounds = array<i64: 256, 256>}, {pipeline_mode = #tpu.pipeline_mode<synchronous>, transform_indices = @transform_3, window_bounds = array<i64: 1, 256>}, {pipeline_mode = #tpu.pipeline_mode<synchronous>, transform_indices = @transform_4, window_bounds = array<i64: 256, 256>}, {pipeline_mode = #tpu.pipeline_mode<synchronous>, transform_indices = @transform_5, window_bounds = array<i64: 1, 256>}, {transform_indices = @transform_6, window_bounds = array<i64: 1000, 256>}]} {
    %get3A = arith.constant 0 : index
    %get3A_0 = arith.constant 0 : index
    %get3A_1 = vector.load %arg1[%get3A, %get3A_0] : memref<1000x256xf32, #tpu.memory_space<vmem>>, vector<1000x128xf32>
    %get3A_2 = arith.constant 0 : index
    %get3A_3 = arith.constant 0 : index
    %get3A_4 = arith.constant 0 : index
    %get3A_5 = vector.load %arg2[%get3A_2, %get3A_3, %get3A_4] : memref<2x1000x128xf32, #tpu.memory_space<vmem>>, vector<1x1000x128xf32>
    %get3A_6 = vector.shape_cast %get3A_5 : vector<1x1000x128xf32> to vector<1000x128xf32>
    %add3A = arith.addf %get3A_1, %get3A_6 : vector<1000x128xf32>
    %get3A_7 = arith.constant 0 : index
    %get3A_8 = arith.constant 128 : index
    %get3A_9 = vector.load %arg1[%get3A_7, %get3A_8] : memref<1000x256xf32, #tpu.memory_space<vmem>>, vector<1000x128xf32>
    %get3A_10 = arith.constant 1 : index
    %get3A_11 = arith.constant 0 : index
    %get3A_12 = arith.constant 0 : index
    %get3A_13 = vector.load %arg2[%get3A_10, %get3A_11, %get3A_12] : memref<2x1000x128xf32, #tpu.memory_space<vmem>>, vector<1x1000x128xf32>
    %get3A_14 = vector.shape_cast %get3A_13 : vector<1x1000x128xf32> to vector<1000x128xf32>
    %add3A_15 = arith.addf %get3A_9, %get3A_14 : vector<1000x128xf32>
    %get3A_16 = arith.constant 0 : index
    %get3A_17 = arith.constant 0 : index
    %get3A_18 = vector.load %arg3[%get3A_16, %get3A_17] : memref<256x256xf32, #tpu.memory_space<vmem>>, vector<128x256xf32>
    %dot_general3A = arith.constant dense<0.000000e+00> : vector<1000x256xf32>
    %dot_general3A_19 = tpu.matmul %add3A, %get3A_18, %dot_general3A {dimension_numbers = #tpu.dot_dimension_numbers<[1], [0], [0], [1], [0, 0, 1, 1], [], []>, transpose_lhs_hint = false} : vector<1000x128xf32>, vector<128x256xf32>, vector<1000x256xf32> -> vector<1000x256xf32>
    %get3A_20 = arith.constant 128 : index
    %get3A_21 = arith.constant 0 : index
    %get3A_22 = vector.load %arg3[%get3A_20, %get3A_21] : memref<256x256xf32, #tpu.memory_space<vmem>>, vector<128x256xf32>
    %dot_general3A_23 = arith.constant dense<0.000000e+00> : vector<1000x256xf32>
    %dot_general3A_24 = tpu.matmul %add3A_15, %get3A_22, %dot_general3A_23 {dimension_numbers = #tpu.dot_dimension_numbers<[1], [0], [0], [1], [0, 0, 1, 1], [], []>, transpose_lhs_hint = false} : vector<1000x128xf32>, vector<128x256xf32>, vector<1000x256xf32> -> vector<1000x256xf32>
    %add3A_25 = arith.addf %dot_general3A_19, %dot_general3A_24 : vector<1000x256xf32>
    %get3A_26 = arith.constant 0 : index
    %get3A_27 = arith.constant 0 : index
    %get3A_28 = vector.load %arg4[%get3A_26, %get3A_27] : memref<1x256xf32, #tpu.memory_space<vmem>>, vector<1x256xf32>
    %add3A_29 = vector.broadcast %get3A_28 : vector<1x256xf32> to vector<1000x256xf32>
    %add3A_30 = arith.addf %add3A_25, %add3A_29 : vector<1000x256xf32>
    %max3A = arith.constant 0.000000e+00 : f32
    %max3A_31 = vector.broadcast %max3A : f32 to vector<1000x256xf32>
    %max3A_32 = arith.maximumf %add3A_30, %max3A_31 : vector<1000x256xf32>
    %get3A_33 = arith.constant 0 : index
    %get3A_34 = arith.constant 0 : index
    %get3A_35 = vector.load %arg5[%get3A_33, %get3A_34] : memref<256x256xf32, #tpu.memory_space<vmem>>, vector<256x256xf32>
    %dot_general3A_36 = arith.constant dense<0.000000e+00> : vector<1000x256xf32>
    %dot_general3A_37 = tpu.matmul %max3A_32, %get3A_35, %dot_general3A_36 {dimension_numbers = #tpu.dot_dimension_numbers<[1], [0], [0], [1], [0, 0, 1, 1], [], []>, transpose_lhs_hint = false} : vector<1000x256xf32>, vector<256x256xf32>, vector<1000x256xf32> -> vector<1000x256xf32>
    %get3A_38 = arith.constant 0 : index
    %get3A_39 = arith.constant 0 : index
    %get3A_40 = vector.load %arg6[%get3A_38, %get3A_39] : memref<1x256xf32, #tpu.memory_space<vmem>>, vector<1x256xf32>
    %add3A_41 = vector.broadcast %get3A_40 : vector<1x256xf32> to vector<1000x256xf32>
    %add3A_42 = arith.addf %dot_general3A_37, %add3A_41 : vector<1000x256xf32>
    %max3A_43 = arith.constant 0.000000e+00 : f32
    %max3A_44 = vector.broadcast %max3A_43 : f32 to vector<1000x256xf32>
    %max3A_45 = arith.maximumf %add3A_42, %max3A_44 : vector<1000x256xf32>
    %swap3A = arith.constant 0 : index
    %swap3A_46 = arith.constant 0 : index
    %swap3A_47 = vector.load %arg7[%swap3A, %swap3A_46] : memref<1000x256xf32, #tpu.memory_space<vmem>>, vector<1000x256xf32>
    tpu.vector_store %arg7[%swap3A, %swap3A_46], %max3A_45 {strides = array<i32>} : memref<1000x256xf32, #tpu.memory_space<vmem>>, vector<1000x256xf32>,
    return
  }
  func.func @transform_0(%arg0: i32) -> (i32, i32) {
    %c0_i32 = arith.constant 0 : i32
    %c0_i32_0 = arith.constant 0 : i32
    return %arg0, %c0_i32 : i32, i32
  }
  func.func @transform_1(%arg0: i32) -> (i32, i32, i32) {
    %c0_i32 = arith.constant 0 : i32
    %c0_i32_0 = arith.constant 0 : i32
    %c0_i32_1 = arith.constant 0 : i32
    return %c0_i32, %arg0, %c0_i32_0 : i32, i32, i32
  }
  func.func @transform_2(%arg0: i32) -> (i32, i32) {
    %c0_i32 = arith.constant 0 : i32
    %c0_i32_0 = arith.constant 0 : i32
    %c0_i32_1 = arith.constant 0 : i32
    return %c0_i32, %c0_i32_0 : i32, i32
  }
  func.func @transform_3(%arg0: i32) -> (i32, i32) {
    %c0_i32 = arith.constant 0 : i32
    %c0_i32_0 = arith.constant 0 : i32
    %c0_i32_1 = arith.constant 0 : i32
    return %c0_i32, %c0_i32_0 : i32, i32
  }
  func.func @transform_4(%arg0: i32) -> (i32, i32) {
    %c0_i32 = arith.constant 0 : i32
    %c0_i32_0 = arith.constant 0 : i32
    %c0_i32_1 = arith.constant 0 : i32
    return %c0_i32, %c0_i32_0 : i32, i32
  }
  func.func @transform_5(%arg0: i32) -> (i32, i32) {
    %c0_i32 = arith.constant 0 : i32
    %c0_i32_0 = arith.constant 0 : i32
    %c0_i32_1 = arith.constant 0 : i32
    return %c0_i32, %c0_i32_0 : i32, i32
  }
  func.func @transform_6(%arg0: i32) -> (i32, i32) {
    %c0_i32 = arith.constant 0 : i32
    %c0_i32_0 = arith.constant 0 : i32
    return %arg0, %c0_i32 : i32, i32
  }
}

</mosaic_0001>

<sc_bundles>
// kernel: kernel.10.cloned.1.call-start
scs
__scs_entry_jumppad:
0x0: {  	(pc) =	sbr.rel $0x88, $3  }
0x1: {  	(tag) =	ssettag $0x0;
	lr =	simm.s32 $0x1  }
0x2: {  	[smem:$0x3F94] =	sst lr;
	_ =	strace $0xD0000000  }
0x3: {  	_ = 	snop  }
0x4: {  	_ = 	snop  }
0x5: {  	_ = 	snop  }
0x6: {  	_ = 	snop  }
0x7: {  	_ = 	snop  }
__scs_overlays_trampoline_lowered:
0x8: {  	[smem:$0x3FA3] =	sst s0  }
0x9: {  	[smem:$0x3FA4] =	sst s1  }
0xa: {  	[smem:$0x3FA5] =	sst s2  }
0xb: {  	[smem:$0x3FA6] =	sst s3  }
0xc: {  	[smem:$0x3FA7] =	sst s4  }
0xd: {  	[smem:$0x3FA8] =	sst s5  }
0xe: {  	[smem:$0x3FA9] =	sst s6  }
0xf: {  	[smem:$0x3FAA] =	sst s7  }
0x10: {  	[smem:$0x3FAB] =	sst s8  }
0x11: {  	[smem:$0x3FAC] =	sst s9;
	s0 =	simm.s32 @!p0 $0x0  }
0x12: {  	s1 =	sld [smem:$0x3F92];
	s0 =	simm.s32 @p0 $0x1  }
0x13: {  	[smem:$0x3FAD] =	sst s0;
	s0 =	simm.s32 @!p1 $0x0  }
0x14: {  	s2 =	sld [smem:$0x3F91];
	s0 =	simm.s32 @p1 $0x1  }
0x15: {  	[smem:$0x3FAE] =	sst s0;
	s0 =	simm.s32 @!p2 $0x0  }
0x16: {  	s3 =	sld [smem:$0x3FDB];
	s0 =	simm.s32 @p2 $0x1  }
0x17: {  	s4 =	simm.s32 $0x1BF5;
	[smem:$0x3FB0] =	sst s0  }
0x18: {  	s0 =	sld [smem:$0x3F93];
	_ =	swait.ge [sflag:s4], $0x0  }
0x19: {  	s7 =	sld [smem:$0x3F94]  }
0x1a: {  	s8 =	sadd.s32 $0xFFFFE003, lr  }
0x1b: {  	s9 =	sadd.s32 $0xFFFFFEF7, lr;
	s5 =	simm.s32 $0xFFFFFFFF;
	p2 =	slt.u32 s8, $0xFFFFF086  }
0x1c: {  	p1 =	slt.u32 s9, $0xF7A;
	s5 =	simm.s32 @!p2 $0x0  }
0x1d: {  	s5 =	simm.s32 @p1 $0x1;
	p0 =	seq.s32 s7, s2  }
0x1e: {  	s7 =	smul.u32 @!p0 $0xF7A, s2;
	p2 =	seq.s32 @!p0 s5, $0x0  }
0x1f: {  	s9 =	smul.u32 $0xF7A, s1;
	s8 =	simm.s32 @!p0 $0x1BF5;
	p2 =	por !p2, p0  }
0x20: {  	[sflag:s8] =	ssyncset.s32 @!p0 $0xFFFFF086;
	s6 =	sadd.s32 @!p0 s3, s7;
	s7 =	simm.s32 @!p0 $0x108  }
0x21: {  	s3 =	sadd.s32 s3, s9;
	s6 =	sadd.s32 @!p0 $0x88, s6;
	s7 =	simm.s32 @p2 $0x1082  }
0x22: {  	[simem:s7], [sflag:s8] =	dma.local @!p0 [hbm:s6], $0xF7A  }
0x23: {  	s9 =	sor.u32 $0xD0000000, s2;
	s6 =	simm.s32 $0x108;
	_ =	swait.ge @!p0 [sflag:s8], $0x0  }
0x24: {  	s3 =	sadd.s32 $0x88, s3;
	s6 =	simm.s32 @!p1 $0x1082;
	[sflag:s4] =	ssyncset.s32 $0xFFFFF086  }
0x25: {  	[simem:s6], [sflag:s4] =	dma.local [hbm:s3], $0xF7A  }
0x26: {  	[smem:$0x3F94] =	sst s1;
	(tag) =	ssettag s2;
	_ =	strace s9  }
0x27: {  	s1 =	sld [smem:$0x3FA4]  }
0x28: {  	s2 =	sld [smem:$0x3FA5]  }
0x29: {  	s4 =	sld [smem:$0x3FA7]  }
0x2a: {  	p0 =	seq.s32 s5, $0x0;
	s5 =	sld [smem:$0x3FA8]  }
0x2b: {  	s6 =	sld [smem:$0x3FA9]  }
0x2c: {  	s7 =	sld [smem:$0x3FAA]  }
0x2d: {  	s3 =	simm.s32 $0x108;
	s8 =	sld [smem:$0x3FAB]  }
0x2e: {  	s3 =	simm.s32 @!p0 $0x1082;
	s9 =	sld [smem:$0x3FAC]  }
0x2f: {  	lr =	sadd.s32 s0, s3;
	s0 =	sld [smem:$0x3FA3]  }
0x30: {  	s3 =	sld [smem:$0x3FA6]  }
0x31: {  	[smem:$0x3FAF] =	sst s10  }
0x32: {  	s10 =	sld [smem:$0x3FAD];
	_ =	sdelay $0x3  }
0x33: {  	p0 =	seq.s32 s10, $0x1;
	s10 =	sld [smem:$0x3FAF];
	_ =	sdelay $0x3  }
0x34: {  	[smem:$0x3FAF] =	sst s10  }
0x35: {  	s10 =	sld [smem:$0x3FAE];
	_ =	sdelay $0x3  }
0x36: {  	p1 =	seq.s32 s10, $0x1;
	s10 =	sld [smem:$0x3FAF];
	_ =	sdelay $0x3  }
0x37: {  	[smem:$0x3FAF] =	sst s10  }
0x38: {  	s10 =	sld [smem:$0x3FB0]  }
0x39: {  	_ = 	snop;
	(pc) =	sbr.ind lr, $3  }
0x3a: {  	_ = 	snop  }
0x3b: {  	_ = 	snop  }
0x3c: {  	p2 =	seq.s32 s10, $0x1;
	s10 =	sld [smem:$0x3FAF]  }
0x3d: {  	_ =	shalt  }
0x3e: {  	_ =	shalt  }
0x3f: {  	_ =	shalt  }
0x40: {  	_ =	shalt  }
0x41: {  	_ =	shalt  }
0x42: {  	_ =	shalt  }
0x43: {  	_ =	shalt  }
0x44: {  	_ =	shalt  }
0x45: {  	_ =	shalt  }
0x46: {  	_ =	shalt  }
0x47: {  	_ =	shalt  }
0x48: {  	_ =	shalt  }
0x49: {  	_ =	shalt  }
0x4a: {  	_ =	shalt  }
0x4b: {  	_ =	shalt  }
0x4c: {  	_ =	shalt  }
0x4d: {  	_ =	shalt  }
0x4e: {  	_ =	shalt  }
0x4f: {  	_ =	shalt  }
0x50: {  	_ =	shalt  }
0x51: {  	_ =	shalt  }
0x52: {  	_ =	shalt  }
0x53: {  	_ =	shalt  }
0x54: {  	_ =	shalt  }
0x55: {  	_ =	shalt  }
0x56: {  	_ =	shalt  }
0x57: {  	_ =	shalt  }
0x58: {  	_ =	shalt  }
0x59: {  	_ =	shalt  }
0x5a: {  	_ =	shalt  }
0x5b: {  	_ =	shalt  }
0x5c: {  	_ =	shalt  }
0x5d: {  	_ =	shalt  }
0x5e: {  	_ =	shalt  }
0x5f: {  	_ =	shalt  }
0x60: {  	_ =	shalt  }
0x61: {  	_ =	shalt  }
0x62: {  	_ =	shalt  }
0x63: {  	_ =	shalt  }
0x64: {  	_ =	shalt  }
0x65: {  	_ =	shalt  }
0x66: {  	_ =	shalt  }
0x67: {  	_ =	shalt  }
0x68: {  	_ =	shalt  }
0x69: {  	_ =	shalt  }
0x6a: {  	_ =	shalt  }
0x6b: {  	_ =	shalt  }
0x6c: {  	_ =	shalt  }
0x6d: {  	_ =	shalt  }
0x6e: {  	_ =	shalt  }
0x6f: {  	_ =	shalt  }
0x70: {  	_ =	shalt  }
0x71: {  	_ =	shalt  }
0x72: {  	_ =	shalt  }
0x73: {  	_ =	shalt  }
0x74: {  	_ =	shalt  }
0x75: {  	_ =	shalt  }
0x76: {  	_ =	shalt  }
0x77: {  	_ =	shalt  }
0x78: {  	_ =	shalt  }
0x79: {  	_ =	shalt  }
0x7a: {  	_ =	shalt  }
0x7b: {  	_ =	shalt  }
0x7c: {  	_ =	shalt  }
0x7d: {  	_ =	shalt  }
0x7e: {  	_ =	shalt  }
0x7f: {  	_ =	shalt  }
0x80: {  	_ =	shalt  }
0x81: {  	_ =	shalt  }
0x82: {  	_ =	shalt  }
0x83: {  	_ =	shalt  }
0x84: {  	_ =	shalt  }
0x85: {  	_ =	shalt  }
0x86: {  	_ =	shalt  }
0x87: {  	_ =	shalt  }
.Lfunc_end0:
.L_simem_size_0:
called_computation_lowered:
.L_overlay_start_0:
0x88: {  	s2 =	sld [smem:$0x3FD9]  }
0x89: {  	s3 =	sld [smem:$0x3FFE];
	_ =	sdelay $0x1  }
0x8a: {  	s1 =	srdreg.scid  }
0x8b: {  	s0 =	sand.u32 $0x1, s1  }
0x8c: {  	s16 =	sshll.u32 s0, $0xA;
	s2 =	sadd.s32 s3, s2  }
0x8d: {  	s2 =	sadd.s32 s2, s16  }
0x8e: {  	[smem:$0x3FBB] =	sst s2  }
0x8f: {  	_ = 	snop  }
0x90: {  	(tm) =	ssettm $0x1  }
0x91: {  	s17 =	sld [smem:$0x3FFB];
	_ =	sdelay $0x3  }
0x92: {  	_ =	strace s17  }
0x93: {  	s2 =	sld [smem:$0x3FFC];
	_ =	sdelay $0x3  }
0x94: {  	_ =	strace s2  }
0x95: {  	s2 =	sld [smem:$0x3FFD];
	_ =	sdelay $0x3  }
0x96: {  	_ =	strace s2  }
0x97: {  	_ =	strace $0x8FFFFFFF  }
0x98: {  	s18 =	sld [smem:$0x3FDB];
	_ =	sdelay $0x1  }
0x99: {  	s19 =	simm.s32 $_scs_section_size  }
0x9a: {  	s4 =	simm.s32 $_size__tile_overlayer_lowered;
	s5 =	simm.s32 $_tile_overlayer_lowered  }
0x9b: {  	s22 =	simm.s32 $0x1BFF;
	s21 =	sshll.u32 s5, $0x1;
	s2 =	sadd.s32 s19, s18  }
0x9c: {  	s6 =	simm.s32 $0x0;
	s20 =	sshll.u32 s4, $0x1;
	s4 =	sadd.s32 s21, s2  }
0x9d: {  	[timem:s6], [sflag:s22] =	dma.local [hbm:s4], s20  }
0x9e: {  	_ =	swait.ge [sflag:s22], s20  }
0x9f: {  	s3 =	ssub.s32 $0x0, s20;
	[sflag:s22] =	ssyncset.done $0x0  }
0xa0: {  	[sflag:s22] =	ssyncadd.s32 s3;
	_ =	sdelay $0x1  }
0xa1: {  	s23 =	simm.s32 $0x1B8B  }
0xa2: {  	_ =	swait.ge [sflag:s23], $0x1  }
0xa3: {  	[sflag:s23] =	ssyncset.done $0x0  }
0xa4: {  	s25 =	simm.s32 $0x1B8E;
	s24 =	sld [smem:$0x3FFE];
	[sflag:s23] =	ssyncadd.s32 $0xFFFFFFFF  }
0xa5: {  	s26 =	simm.s32 $execute0_lowered;
	[smem:$0x3FD2] =	sst s25  }
0xa6: {  	s4 =	sshll.u32 s26, $0x1;
	_ =	strace $0x80000046;
	[dreg:$0x1] =	wrdreg $0xFFFFFFFF  }
0xa7: {  	s28 =	simm.s32 $_size_execute0_lowered;
	s2 =	sadd.s32 s2, s4;
	[dreg:$0x0] =	wrdreg $0x0  }
0xa8: {  	s4 =	sshll.u32 s28, $0x1;
	[dreg:$0x2] =	wrdreg s2  }
0xa9: {  	[dreg:$0x3] =	wrdreg s4  }
0xaa: {  	[dreg:$0x4] =	wrdreg $0xC0  }
0xab: {  	_ =	task [dreg:s6], $0x5FFFF  }
0xac: {  	[dreg:$0x1] =	wrdreg $0xFFFFFFFF  }
0xad: {  	[dreg:$0x0] =	wrdreg $0x60  }
0xae: {  	[dreg:$0x2] =	wrdreg s24  }
0xaf: {  	[dreg:$0x3] =	wrdreg $0xC3800  }
0xb0: {  	[dreg:$0x4] =	wrdreg $0x9  }
0xb1: {  	_ =	task.clear_ibuf [dreg:s6], $0x5FFFF;
	_ =	strace $0x90000046  }
0xb2: {  	s29 =	simm.s32 $0x9;
	_ =	strace $0x80000048  }
0xb3: {  	_ =	swait.ge [sflag:s29], $0x1  }
0xb4: {  	[sflag:s29] =	ssyncadd.s32 $0xFFFFFFFF  }
0xb5: {  	_ =	strace $0x90000048  }
0xb6: {  	_ =	sfence  }
0xb7: {  	s30 =	sld [smem:$0x0];
	_ =	sdelay $0x2  }
0xb8: {  	s31 =	sshll.u32 s1, $0xD;
	s1 =	sshrl.u32 s1, $0x2  }
0xb9: {  	s3 =	sand.u32 $0x4000, s31;
	s1 =	sadd.s32 s1, s30  }
0xba: {  	s0 =	sor.u32 s3, s0;
	s1 =	sshll.u32 s1, $0x11  }
0xbb: {  	s0 =	sor.u32 s1, s0  }
0xbc: {  	s0 =	sadd.s32 $0x8F2B, s0  }
0xbd: {  	[sflag:s0] =	ssyncadd.remote.s32 $0x1  }
0xbe: {  	_ =	sfence.sel $0xFFFF  }
0xbf: {  	[dreg:$0x0] =	wrdreg $0xFFFFFFFF;
	(pc) =	sbr.abs _section_cstart, $3  }
0xc0: {  	[dreg:$0x1] =	wrdreg $0xFFFFFFFF  }
0xc1: {  	_ =	task.clear_ibuf [dreg:s6], $0x2FFFF;
	_ =	strace $0x9FFFFFFF  }
0xc2: {  	(tm) =	ssettm $0x7FFFFFFF  }
0xc3: {  	_ =	shalt  }
tec
execute0_lowered:
.L_overlay_start_1:
0x0: {  	(tag) =	ssettag $0x1  }
0x1: {  	s1 =	srdreg.scid  }
0x2: {  	s0 =	stileid.u32;
	s6 =	rddreg [dreg:$0x0]  }
0x3: {  	s2 =	rddreg [dreg:$0x1];
	s3 =	simm.s32 $0x0;
	s18 =	simm.s32 $0x68  }
0x4: {  	s19 =	simm.s32 $0x5B80;
	s20 =	simm.s32 $0x1;
	s21 =	simm.s32 $0x8F80  }
0x5: {  	s22 =	simm.s32 $0x2;
	s23 =	simm.s32 $0x5780;
	s5 =	sand.u32 $0x1, s1  }
0x6: {  	s24 =	sshrl.u32 s0, $0x3;
	s1 =	rddreg [dreg:$0x2];
	s26 =	smul.u32 $0x680, s0  }
0x7: {  	s8 =	sshll.u32 s0, $0x7;
	[smem:$0x7FF] =	sst s3;
	s9 =	smul.u32 $0x4E000, s0  }
0x8: {  	s13 =	smul.u32 $0x13800, s0;
	s14 =	sadd.s32 $0x63400, s6;
	s17 =	sadd.s32 $0x138000, s2  }
0x9: {  	p0 =	sne.s32 s0, $0xF;
	s15 =	sshll.u32 s0, $0x6;
	s4 =	smul.u32 $0x27800, s5  }
0xa: {  	s7 =	smul.u32 $0x13C00, s24;
	s25 =	sand.u32 $0x380, s8;
	_ =	strace $0x80000047  }
0xb: {  	s10 =	ssub.s32 $0x2, s5;
	s11 =	smul.u32 $0x138800, s5;
	s5 =	sadd.s32 $0x60C00, s6  }
0xc: {  	s15 =	sor.u32 $0x1C03, s15;
	s17 =	sshrl.u32 @!p0 s17, $0x3;
	s24 =	simm.s32 $0x0  }
0xd: {  	s8 =	sadd.s32 s26, s6;
	s12 =	sshrl.u32 s10, $0x1;
	s28 =	sshrl.u32 s9, $0x2  }
0xe: {  	s4 =	sadd.s32 s4, s7;
	s10 =	ssub.s32 s10, s12;
	s29 =	sadd.s32 s13, s11  }
0xf: {  	s16 =	sadd.s32 s28, s2;
	s31 =	sshrl.u32 s11, $0x3;
	s11 =	simm.s32 $0x80  }
0x10: {  	s12 =	simm.s32 $0x400;
	s13 =	simm.s32 $0x3;
	s4 =	sor.u32 s25, s4  }
0x11: {  	s30 =	sshrl.u32 s29, $0x3;
	s9 =	sadd.s32 s14, s31;
	s7 =	sshrl.u32 s4, $0x3  }
0x12: {  	s10 =	smax.u32 s10, $0x1;
	s16 =	sshrl.u32 s16, $0x3;
	s7 =	sadd.s32 s7, s6  }
0x13: {  	s4 =	sadd.s32 $0x8C00, s6;
	s9 =	sadd.s32 $0x27000, s9;
	s6 =	sadd.s32 $0x56E00, s7  }
0x14: {  	s7 =	sadd.s32 $0x2400, s8;
	s8 =	sadd.s32 s14, s30;
	s14 =	simm.s32 $0x2780  }
.LBB2_1:
0x15: {  	[tilespmem:s3], [sflag:$0x3] =	stream.strided.gather [hbm4b:s6+s11], $0x2780, s12, s11, $0x38;
	[tilespmem:$0x1FC40] =	vst v63  }
0x16: {  	_ =	swait.ge [sflag:s13], $0x2780  }
0x17: {  	[sflag:s13] =	ssyncset.done $0x0  }
0x18: {  	[sflag:s13] =	ssyncadd.s32 $0xFFFFD880  }
0x19: {  	[tilespmem:s14], [sflag:$0x3] =	stream.linear.gather [hbm4b:s7+s3], $0x3080, $0x38;
	[tilespmem:$0x1FC40] =	vst v63  }
0x1a: {  	_ =	swait.ge [sflag:s13], $0x3080  }
0x1b: {  	[sflag:s13] =	ssyncset.done $0x0  }
0x1c: {  	[sflag:s13] =	ssyncadd.s32 $0xFFFFCF80  }
0x1d: {  	[spmem:s16], [sflag:s15] =	dma.local [hbm:s5], $0x2700  }
0x1e: {  	_ =	swait.ge [sflag:s13], $0x2700  }
0x1f: {  	[sflag:s13] =	ssyncset.done $0x0  }
0x20: {  	s25 =	simm.s32 @!p0 $0x3;
	[sflag:s13] =	ssyncadd.s32 $0xFFFFD900  }
0x21: {  	[spmem:s17], [sflag:s15] =	dma.local @!p0 [hbm:s5], $0x180  }
0x22: {  	_ =	swait.ge @!p0 [sflag:s25], $0x180  }
0x23: {  	[sflag:s25] =	ssyncset.done @!p0 $0x0  }
0x24: {  	[sflag:s25] =	ssyncadd.s32 @!p0 $0xFFFFFE80  }
0x25: {  	[bflag:$0x0] =	sbarrier.arrive $0xFFFF  }
0x26: {  	[tilespmem:s19], [sflag:$0x1] =	stream.indirect.gather [hbm4b:s4+s18], $0x80, s3, s18, $0xb8;
	[tilespmem:$0x1FC40] =	vst v63  }
0x27: {  	_ =	swait.ge [sflag:s20], $0x3400  }
0x28: {  	[sflag:s20] =	ssyncset.done $0x0  }
0x29: {  	s30 =	simm.s32 $0x68;
	[sflag:s20] =	ssyncadd.s32 $0xFFFFCC00  }
0x2a: {  	[tilespmem:s21], [sflag:$0x2] =	stream.indirect.gather [hbm4b:s4+s18], $0x80, s30, s18, $0xb8;
	[tilespmem:$0x1FC40] =	vst v63  }
0x2b: {  	s31 =	simm.s32 $0x2780  }
0x2c: {  	[spmem:s2] =	stream.indirect.scatter.add.f32 [tilespmem:s19], [sflag:$0x3], $0x80, s31, s18, $0xb8;
	[tilespmem:$0x1FC40] =	vst v63  }
0x2d: {  	_ =	swait.ge [sflag:s13], $0x3400  }
0x2e: {  	[sflag:s13] =	ssyncset.done $0x0  }
0x2f: {  	[sflag:s13] =	ssyncadd.s32 $0xFFFFCC00  }
0x30: {  	_ =	swait.ge [sflag:s22], $0x3400  }
0x31: {  	[sflag:s22] =	ssyncset.done $0x0  }
0x32: {  	s25 =	simm.s32 $0xD0;
	[sflag:s22] =	ssyncadd.s32 $0xFFFFCC00  }
0x33: {  	[tilespmem:s19], [sflag:$0x1] =	stream.indirect.gather [hbm4b:s4+s18], $0x80, s25, s18, $0xb8;
	[tilespmem:$0x1FC40] =	vst v63  }
0x34: {  	s26 =	simm.s32 $0x2800  }
0x35: {  	[spmem:s2] =	stream.indirect.scatter.add.f32 [tilespmem:s21], [sflag:$0x3], $0x80, s26, s18, $0xb8;
	[tilespmem:$0x1FC40] =	vst v63  }
0x36: {  	_ =	swait.ge [sflag:s13], $0x3400  }
0x37: {  	s26 =	simm.s32 $0x400;
	[sflag:s13] =	ssyncset.done $0x0  }
.LBB2_2:
0x38: {  	p1 =	sne.s32 s26, $0xBC00;
	[sflag:s13] =	ssyncadd.s32 $0xFFFFCC00;
	s25 =	sadd.s32 $0xD0, s25  }
0x39: {  	s28 =	smov.u32 s26;
	s26 =	sadd.s32 $0x400, s26  }
0x3a: {  	_ =	swait.ge [sflag:s20], $0x3400  }
0x3b: {  	[sflag:s20] =	ssyncset.done $0x0  }
0x3c: {  	s29 =	sadd.s32 $0xFFFFFF98, s25;
	s28 =	sshra.s32 s28, $0x2;
	[sflag:s20] =	ssyncadd.s32 $0xFFFFCC00  }
0x3d: {  	[tilespmem:s21], [sflag:$0x2] =	stream.indirect.gather [hbm4b:s4+s18], $0x80, s29, s18, $0xb8;
	[tilespmem:$0x1FC40] =	vst v63  }
0x3e: {  	s29 =	sadd.s32 $0x2780, s28  }
0x3f: {  	[spmem:s2] =	stream.indirect.scatter.add.f32 [tilespmem:s19], [sflag:$0x3], $0x80, s29, s18, $0xb8;
	[tilespmem:$0x1FC40] =	vst v63  }
0x40: {  	_ =	swait.ge [sflag:s13], $0x3400  }
0x41: {  	[sflag:s13] =	ssyncset.done $0x0  }
0x42: {  	[sflag:s13] =	ssyncadd.s32 $0xFFFFCC00  }
0x43: {  	_ =	swait.ge [sflag:s22], $0x3400  }
0x44: {  	[sflag:s22] =	ssyncset.done $0x0  }
0x45: {  	[sflag:s22] =	ssyncadd.s32 $0xFFFFCC00  }
0x46: {  	[tilespmem:s19], [sflag:$0x1] =	stream.indirect.gather [hbm4b:s4+s18], $0x80, s25, s18, $0xb8;
	[tilespmem:$0x1FC40] =	vst v63  }
.Ltmp0:
0x47: {  	_ = 	snop;
	(pc) =	sbr.rel @p1 .LBB2_2-.Ltmp0, $4  }
0x48: {  	s28 =	sadd.s32 $0x2800, s28  }
0x49: {  	[spmem:s2] =	stream.indirect.scatter.add.f32 [tilespmem:s21], [sflag:$0x3], $0x80, s28, s18, $0xb8;
	[tilespmem:$0x1FC40] =	vst v63  }
0x4a: {  	_ =	swait.ge [sflag:s13], $0x3400  }
0x4b: {  	[sflag:s13] =	ssyncset.done $0x0  }
0x4c: {  	[sflag:s13] =	ssyncadd.s32 $0xFFFFCC00  }
0x4d: {  	_ =	swait.ge [sflag:s20], $0x3400  }
0x4e: {  	[sflag:s20] =	ssyncset.done $0x0  }
0x4f: {  	[sflag:s20] =	ssyncadd.s32 $0xFFFFCC00  }
0x50: {  	[spmem:s2] =	stream.indirect.scatter.add.f32 [tilespmem:s19], [sflag:$0x3], $0x80, s23, s18, $0xb8;
	[tilespmem:$0x1FC40] =	vst v63  }
0x51: {  	_ =	swait.ge [sflag:s13], $0x3400  }
0x52: {  	[sflag:s13] =	ssyncset.done $0x0  }
0x53: {  	[sflag:s13] =	ssyncadd.s32 $0xFFFFCC00  }
0x54: {  	[bflag:$0x0] =	sbarrier.arrive $0xFFFF  }
0x55: {  	[hbm:s8], [sflag:s15] =	dma.local [spmem:s16], $0x2700  }
0x56: {  	s24 =	sadd.s32 $0x1, s24;
	_ =	swait.ge [sflag:s13], $0x2700  }
0x57: {  	p1 =	sne.s32 s24, s10;
	[sflag:s13] =	ssyncset.done $0x0  }
.Ltmp1:
0x58: {  	s25 =	simm.s32 @!p0 $0x3;
	[sflag:s13] =	ssyncadd.s32 $0xFFFFD900;
	(pc) =	sbr.rel @p1 .LBB2_1-.Ltmp1, $4  }
0x59: {  	[hbm:s9], [sflag:s15] =	dma.local @!p0 [spmem:s17], $0x100  }
0x5a: {  	_ =	swait.ge @!p0 [sflag:s25], $0x100  }
0x5b: {  	[sflag:s25] =	ssyncset.done @!p0 $0x0  }
0x5c: {  	[sflag:s25] =	ssyncadd.s32 @!p0 $0xFFFFFF00  }
0x5d: {  	_ =	sfence.sel $0x180000  }
0x5e: {  	[bflag:$0x0] =	sbarrier.arrive $0xFFFF  }
0x5f: {  	p0 =	sne.s32 s0, $0x0;
	_ =	strace $0x90000047  }
0x60: {  	s0 =	sadd.s32 @!p0 $0x100000, s1;
	[bflag:$0x2] =	sbarrier.arrive $0xFFFF  }
0x61: {  	[sflag:s0] =	ssyncadd.tile.s32 @!p0 $0x1;
	_ =	shalt  }
.Lfunc_end2:
_tile_overlayer_lowered:
.L_overlay_start_2:
0x62: {  	(tag) =	ssettag $0x2  }
0x63: {  	s0 =	rddreg [dreg:$0x0];
	s2 =	stileid.u32  }
0x64: {  	s1 =	rddreg [dreg:$0x1];
	p0 =	sne.s32 s2, $0x0  }
0x65: {  	s3 =	rddreg [dreg:$0x2];
	[bflag:$0x3] =	sbarrier.arrive $0xFFFF;
	s2 =	simm.s32 @!p0 $0x1C03  }
0x66: {  	[timem:s3], [sflag:s2] =	dma.local @!p0 [hbm:s0], s1  }
0x67: {  	s0 =	simm.s32 @!p0 $0x3  }
0x68: {  	_ =	swait.ge @!p0 [sflag:s0], s1  }
0x69: {  	s1 =	ssub.s32 @!p0 $0x0, s1;
	[sflag:s0] =	ssyncset.done @!p0 $0x0  }
0x6a: {  	[sflag:s0] =	ssyncadd.s32 @!p0 s1  }
0x6b: {  	[bflag:$0x3] =	sbarrier.arrive $0xFFFF  }
0x6c: {  	_ =	shalt  }

// kernel: kernel.13.cloned.1.call-start
scs
__scs_entry_jumppad:
0x0: {  	(pc) =	sbr.rel $0x88, $3  }
0x1: {  	(tag) =	ssettag $0x0;
	lr =	simm.s32 $0x1  }
0x2: {  	[smem:$0x3F94] =	sst lr;
	_ =	strace $0xD0000000  }
0x3: {  	_ = 	snop  }
0x4: {  	_ = 	snop  }
0x5: {  	_ = 	snop  }
0x6: {  	_ = 	snop  }
0x7: {  	_ = 	snop  }
__scs_overlays_trampoline_lowered:
0x8: {  	[smem:$0x3FA3] =	sst s0  }
0x9: {  	[smem:$0x3FA4] =	sst s1  }
0xa: {  	[smem:$0x3FA5] =	sst s2  }
0xb: {  	[smem:$0x3FA6] =	sst s3  }
0xc: {  	[smem:$0x3FA7] =	sst s4  }
0xd: {  	[smem:$0x3FA8] =	sst s5  }
0xe: {  	[smem:$0x3FA9] =	sst s6  }
0xf: {  	[smem:$0x3FAA] =	sst s7  }
0x10: {  	[smem:$0x3FAB] =	sst s8  }
0x11: {  	[smem:$0x3FAC] =	sst s9;
	s0 =	simm.s32 @!p0 $0x0  }
0x12: {  	s1 =	sld [smem:$0x3F92];
	s0 =	simm.s32 @p0 $0x1  }
0x13: {  	[smem:$0x3FAD] =	sst s0;
	s0 =	simm.s32 @!p1 $0x0  }
0x14: {  	s2 =	sld [smem:$0x3F91];
	s0 =	simm.s32 @p1 $0x1  }
0x15: {  	[smem:$0x3FAE] =	sst s0;
	s0 =	simm.s32 @!p2 $0x0  }
0x16: {  	s3 =	sld [smem:$0x3FDB];
	s0 =	simm.s32 @p2 $0x1  }
0x17: {  	s4 =	simm.s32 $0x1BF5;
	[smem:$0x3FB0] =	sst s0  }
0x18: {  	s0 =	sld [smem:$0x3F93];
	_ =	swait.ge [sflag:s4], $0x0  }
0x19: {  	s7 =	sld [smem:$0x3F94]  }
0x1a: {  	s8 =	sadd.s32 $0xFFFFE003, lr  }
0x1b: {  	s9 =	sadd.s32 $0xFFFFFEF7, lr;
	s5 =	simm.s32 $0xFFFFFFFF;
	p2 =	slt.u32 s8, $0xFFFFF086  }
0x1c: {  	p1 =	slt.u32 s9, $0xF7A;
	s5 =	simm.s32 @!p2 $0x0  }
0x1d: {  	s5 =	simm.s32 @p1 $0x1;
	p0 =	seq.s32 s7, s2  }
0x1e: {  	s7 =	smul.u32 @!p0 $0xF7A, s2;
	p2 =	seq.s32 @!p0 s5, $0x0  }
0x1f: {  	s9 =	smul.u32 $0xF7A, s1;
	s8 =	simm.s32 @!p0 $0x1BF5;
	p2 =	por !p2, p0  }
0x20: {  	[sflag:s8] =	ssyncset.s32 @!p0 $0xFFFFF086;
	s6 =	sadd.s32 @!p0 s3, s7;
	s7 =	simm.s32 @!p0 $0x108  }
0x21: {  	s3 =	sadd.s32 s3, s9;
	s6 =	sadd.s32 @!p0 $0x88, s6;
	s7 =	simm.s32 @p2 $0x1082  }
0x22: {  	[simem:s7], [sflag:s8] =	dma.local @!p0 [hbm:s6], $0xF7A  }
0x23: {  	s9 =	sor.u32 $0xD0000000, s2;
	s6 =	simm.s32 $0x108;
	_ =	swait.ge @!p0 [sflag:s8], $0x0  }
0x24: {  	s3 =	sadd.s32 $0x88, s3;
	s6 =	simm.s32 @!p1 $0x1082;
	[sflag:s4] =	ssyncset.s32 $0xFFFFF086  }
0x25: {  	[simem:s6], [sflag:s4] =	dma.local [hbm:s3], $0xF7A  }
0x26: {  	[smem:$0x3F94] =	sst s1;
	(tag) =	ssettag s2;
	_ =	strace s9  }
0x27: {  	s1 =	sld [smem:$0x3FA4]  }
0x28: {  	s2 =	sld [smem:$0x3FA5]  }
0x29: {  	s4 =	sld [smem:$0x3FA7]  }
0x2a: {  	p0 =	seq.s32 s5, $0x0;
	s5 =	sld [smem:$0x3FA8]  }
0x2b: {  	s6 =	sld [smem:$0x3FA9]  }
0x2c: {  	s7 =	sld [smem:$0x3FAA]  }
0x2d: {  	s3 =	simm.s32 $0x108;
	s8 =	sld [smem:$0x3FAB]  }
0x2e: {  	s3 =	simm.s32 @!p0 $0x1082;
	s9 =	sld [smem:$0x3FAC]  }
0x2f: {  	lr =	sadd.s32 s0, s3;
	s0 =	sld [smem:$0x3FA3]  }
0x30: {  	s3 =	sld [smem:$0x3FA6]  }
0x31: {  	[smem:$0x3FAF] =	sst s10  }
0x32: {  	s10 =	sld [smem:$0x3FAD];
	_ =	sdelay $0x3  }
0x33: {  	p0 =	seq.s32 s10, $0x1;
	s10 =	sld [smem:$0x3FAF];
	_ =	sdelay $0x3  }
0x34: {  	[smem:$0x3FAF] =	sst s10  }
0x35: {  	s10 =	sld [smem:$0x3FAE];
	_ =	sdelay $0x3  }
0x36: {  	p1 =	seq.s32 s10, $0x1;
	s10 =	sld [smem:$0x3FAF];
	_ =	sdelay $0x3  }
0x37: {  	[smem:$0x3FAF] =	sst s10  }
0x38: {  	s10 =	sld [smem:$0x3FB0]  }
0x39: {  	_ = 	snop;
	(pc) =	sbr.ind lr, $3  }
0x3a: {  	_ = 	snop  }
0x3b: {  	_ = 	snop  }
0x3c: {  	p2 =	seq.s32 s10, $0x1;
	s10 =	sld [smem:$0x3FAF]  }
0x3d: {  	_ =	shalt  }
0x3e: {  	_ =	shalt  }
0x3f: {  	_ =	shalt  }
0x40: {  	_ =	shalt  }
0x41: {  	_ =	shalt  }
0x42: {  	_ =	shalt  }
0x43: {  	_ =	shalt  }
0x44: {  	_ =	shalt  }
0x45: {  	_ =	shalt  }
0x46: {  	_ =	shalt  }
0x47: {  	_ =	shalt  }
0x48: {  	_ =	shalt  }
0x49: {  	_ =	shalt  }
0x4a: {  	_ =	shalt  }
0x4b: {  	_ =	shalt  }
0x4c: {  	_ =	shalt  }
0x4d: {  	_ =	shalt  }
0x4e: {  	_ =	shalt  }
0x4f: {  	_ =	shalt  }
0x50: {  	_ =	shalt  }
0x51: {  	_ =	shalt  }
0x52: {  	_ =	shalt  }
0x53: {  	_ =	shalt  }
0x54: {  	_ =	shalt  }
0x55: {  	_ =	shalt  }
0x56: {  	_ =	shalt  }
0x57: {  	_ =	shalt  }
0x58: {  	_ =	shalt  }
0x59: {  	_ =	shalt  }
0x5a: {  	_ =	shalt  }
0x5b: {  	_ =	shalt  }
0x5c: {  	_ =	shalt  }
0x5d: {  	_ =	shalt  }
0x5e: {  	_ =	shalt  }
0x5f: {  	_ =	shalt  }
0x60: {  	_ =	shalt  }
0x61: {  	_ =	shalt  }
0x62: {  	_ =	shalt  }
0x63: {  	_ =	shalt  }
0x64: {  	_ =	shalt  }
0x65: {  	_ =	shalt  }
0x66: {  	_ =	shalt  }
0x67: {  	_ =	shalt  }
0x68: {  	_ =	shalt  }
0x69: {  	_ =	shalt  }
0x6a: {  	_ =	shalt  }
0x6b: {  	_ =	shalt  }
0x6c: {  	_ =	shalt  }
0x6d: {  	_ =	shalt  }
0x6e: {  	_ =	shalt  }
0x6f: {  	_ =	shalt  }
0x70: {  	_ =	shalt  }
0x71: {  	_ =	shalt  }
0x72: {  	_ =	shalt  }
0x73: {  	_ =	shalt  }
0x74: {  	_ =	shalt  }
0x75: {  	_ =	shalt  }
0x76: {  	_ =	shalt  }
0x77: {  	_ =	shalt  }
0x78: {  	_ =	shalt  }
0x79: {  	_ =	shalt  }
0x7a: {  	_ =	shalt  }
0x7b: {  	_ =	shalt  }
0x7c: {  	_ =	shalt  }
0x7d: {  	_ =	shalt  }
0x7e: {  	_ =	shalt  }
0x7f: {  	_ =	shalt  }
0x80: {  	_ =	shalt  }
0x81: {  	_ =	shalt  }
0x82: {  	_ =	shalt  }
0x83: {  	_ =	shalt  }
0x84: {  	_ =	shalt  }
0x85: {  	_ =	shalt  }
0x86: {  	_ =	shalt  }
0x87: {  	_ =	shalt  }
.Lfunc_end0:
.L_simem_size_0:
called_computation.1_lowered:
.L_overlay_start_0:
0x88: {  	s2 =	sld [smem:$0x3FD9]  }
0x89: {  	s3 =	sld [smem:$0x3FFE];
	_ =	sdelay $0x1  }
0x8a: {  	s1 =	srdreg.scid  }
0x8b: {  	s0 =	sand.u32 $0x1, s1  }
0x8c: {  	s16 =	sshll.u32 s0, $0xA;
	s2 =	sadd.s32 s3, s2  }
0x8d: {  	s2 =	sadd.s32 s2, s16  }
0x8e: {  	[smem:$0x3FBB] =	sst s2  }
0x8f: {  	_ = 	snop  }
0x90: {  	(tm) =	ssettm $0x1  }
0x91: {  	s17 =	sld [smem:$0x3FFB];
	_ =	sdelay $0x3  }
0x92: {  	_ =	strace s17  }
0x93: {  	s2 =	sld [smem:$0x3FFC];
	_ =	sdelay $0x3  }
0x94: {  	_ =	strace s2  }
0x95: {  	s2 =	sld [smem:$0x3FFD];
	_ =	sdelay $0x3  }
0x96: {  	_ =	strace s2  }
0x97: {  	_ =	strace $0x8FFFFFFF  }
0x98: {  	s18 =	sld [smem:$0x3FDB];
	_ =	sdelay $0x1  }
0x99: {  	s19 =	simm.s32 $_scs_section_size  }
0x9a: {  	s4 =	simm.s32 $_size__tile_overlayer_lowered;
	s5 =	simm.s32 $_tile_overlayer_lowered  }
0x9b: {  	s22 =	simm.s32 $0x1BFF;
	s21 =	sshll.u32 s5, $0x1;
	s2 =	sadd.s32 s19, s18  }
0x9c: {  	s6 =	simm.s32 $0x0;
	s20 =	sshll.u32 s4, $0x1;
	s4 =	sadd.s32 s21, s2  }
0x9d: {  	[timem:s6], [sflag:s22] =	dma.local [hbm:s4], s20  }
0x9e: {  	_ =	swait.ge [sflag:s22], s20  }
0x9f: {  	s3 =	ssub.s32 $0x0, s20;
	[sflag:s22] =	ssyncset.done $0x0  }
0xa0: {  	[sflag:s22] =	ssyncadd.s32 s3;
	_ =	sdelay $0x1  }
0xa1: {  	s23 =	simm.s32 $0x1B8B  }
0xa2: {  	_ =	swait.ge [sflag:s23], $0x1  }
0xa3: {  	[sflag:s23] =	ssyncset.done $0x0  }
0xa4: {  	s25 =	simm.s32 $0x1B8E;
	s24 =	sld [smem:$0x3FFE];
	[sflag:s23] =	ssyncadd.s32 $0xFFFFFFFF  }
0xa5: {  	s26 =	simm.s32 $execute0_lowered;
	[smem:$0x3FD2] =	sst s25  }
0xa6: {  	s4 =	sshll.u32 s26, $0x1;
	_ =	strace $0x80000049;
	[dreg:$0x1] =	wrdreg $0xFFFFFFFF  }
0xa7: {  	s28 =	simm.s32 $_size_execute0_lowered;
	s2 =	sadd.s32 s2, s4;
	[dreg:$0x0] =	wrdreg $0x0  }
0xa8: {  	s4 =	sshll.u32 s28, $0x1;
	[dreg:$0x2] =	wrdreg s2  }
0xa9: {  	[dreg:$0x3] =	wrdreg s4  }
0xaa: {  	[dreg:$0x4] =	wrdreg $0xC0  }
0xab: {  	_ =	task [dreg:s6], $0x5FFFF  }
0xac: {  	[dreg:$0x1] =	wrdreg $0xFFFFFFFF  }
0xad: {  	[dreg:$0x0] =	wrdreg $0x60  }
0xae: {  	[dreg:$0x2] =	wrdreg s24  }
0xaf: {  	[dreg:$0x3] =	wrdreg $0xC3800  }
0xb0: {  	[dreg:$0x4] =	wrdreg $0x9  }
0xb1: {  	_ =	task.clear_ibuf [dreg:s6], $0x5FFFF;
	_ =	strace $0x90000049  }
0xb2: {  	s29 =	simm.s32 $0x9;
	_ =	strace $0x8000004B  }
0xb3: {  	_ =	swait.ge [sflag:s29], $0x1  }
0xb4: {  	[sflag:s29] =	ssyncadd.s32 $0xFFFFFFFF  }
0xb5: {  	_ =	strace $0x9000004B  }
0xb6: {  	_ =	sfence  }
0xb7: {  	s30 =	sld [smem:$0x0];
	_ =	sdelay $0x2  }
0xb8: {  	s31 =	sshll.u32 s1, $0xD;
	s1 =	sshrl.u32 s1, $0x2  }
0xb9: {  	s3 =	sand.u32 $0x4000, s31;
	s1 =	sadd.s32 s1, s30  }
0xba: {  	s0 =	sor.u32 s3, s0;
	s1 =	sshll.u32 s1, $0x11  }
0xbb: {  	s0 =	sor.u32 s1, s0  }
0xbc: {  	s0 =	sadd.s32 $0x8F2B, s0  }
0xbd: {  	[sflag:s0] =	ssyncadd.remote.s32 $0x1  }
0xbe: {  	_ =	sfence.sel $0xFFFF  }
0xbf: {  	[dreg:$0x0] =	wrdreg $0xFFFFFFFF;
	(pc) =	sbr.abs _section_cstart, $3  }
0xc0: {  	[dreg:$0x1] =	wrdreg $0xFFFFFFFF  }
0xc1: {  	_ =	task.clear_ibuf [dreg:s6], $0x2FFFF;
	_ =	strace $0x9FFFFFFF  }
0xc2: {  	(tm) =	ssettm $0x7FFFFFFF  }
0xc3: {  	_ =	shalt  }
tec
execute0_lowered:
.L_overlay_start_1:
0x0: {  	(tag) =	ssettag $0x1  }
0x1: {  	s1 =	srdreg.scid  }
0x2: {  	s0 =	stileid.u32;
	s6 =	rddreg [dreg:$0x0]  }
0x3: {  	s2 =	rddreg [dreg:$0x1];
	s3 =	simm.s32 $0x0;
	s18 =	simm.s32 $0x68  }
0x4: {  	s19 =	simm.s32 $0x5B80;
	s20 =	simm.s32 $0x1;
	s21 =	simm.s32 $0x8F80  }
0x5: {  	s22 =	simm.s32 $0x2;
	s23 =	simm.s32 $0x5780;
	s5 =	sand.u32 $0x1, s1  }
0x6: {  	s24 =	sshrl.u32 s0, $0x3;
	s1 =	rddreg [dreg:$0x2];
	s26 =	smul.u32 $0x680, s0  }
0x7: {  	s8 =	sshll.u32 s0, $0x7;
	[smem:$0x7FF] =	sst s3;
	s9 =	smul.u32 $0x4E000, s0  }
0x8: {  	s13 =	smul.u32 $0x13800, s0;
	s14 =	sadd.s32 $0x63400, s6;
	s17 =	sadd.s32 $0x138000, s2  }
0x9: {  	p0 =	sne.s32 s0, $0xF;
	s15 =	sshll.u32 s0, $0x6;
	s4 =	smul.u32 $0x27800, s5  }
0xa: {  	s7 =	smul.u32 $0x13C00, s24;
	s25 =	sand.u32 $0x380, s8;
	_ =	strace $0x8000004A  }
0xb: {  	s10 =	ssub.s32 $0x2, s5;
	s11 =	smul.u32 $0x138800, s5;
	s5 =	sadd.s32 $0x60C00, s6  }
0xc: {  	s15 =	sor.u32 $0x1C03, s15;
	s17 =	sshrl.u32 @!p0 s17, $0x3;
	s24 =	simm.s32 $0x0  }
0xd: {  	s8 =	sadd.s32 s26, s6;
	s12 =	sshrl.u32 s10, $0x1;
	s28 =	sshrl.u32 s9, $0x2  }
0xe: {  	s4 =	sadd.s32 s4, s7;
	s10 =	ssub.s32 s10, s12;
	s29 =	sadd.s32 s13, s11  }
0xf: {  	s16 =	sadd.s32 s28, s2;
	s31 =	sshrl.u32 s11, $0x3;
	s11 =	simm.s32 $0x80  }
0x10: {  	s12 =	simm.s32 $0x400;
	s13 =	simm.s32 $0x3;
	s4 =	sor.u32 s25, s4  }
0x11: {  	s30 =	sshrl.u32 s29, $0x3;
	s9 =	sadd.s32 s14, s31;
	s7 =	sshrl.u32 s4, $0x3  }
0x12: {  	s10 =	smax.u32 s10, $0x1;
	s16 =	sshrl.u32 s16, $0x3;
	s7 =	sadd.s32 s7, s6  }
0x13: {  	s4 =	sadd.s32 $0x8C00, s6;
	s9 =	sadd.s32 $0x27000, s9;
	s6 =	sadd.s32 $0x56E00, s7  }
0x14: {  	s7 =	sadd.s32 $0x2400, s8;
	s8 =	sadd.s32 s14, s30;
	s14 =	simm.s32 $0x2780  }
.LBB2_1:
0x15: {  	[tilespmem:s3], [sflag:$0x3] =	stream.strided.gather [hbm4b:s6+s11], $0x2780, s12, s11, $0x38;
	[tilespmem:$0x1FC40] =	vst v63  }
0x16: {  	_ =	swait.ge [sflag:s13], $0x2780  }
0x17: {  	[sflag:s13] =	ssyncset.done $0x0  }
0x18: {  	[sflag:s13] =	ssyncadd.s32 $0xFFFFD880  }
0x19: {  	[tilespmem:s14], [sflag:$0x3] =	stream.linear.gather [hbm4b:s7+s3], $0x3080, $0x38;
	[tilespmem:$0x1FC40] =	vst v63  }
0x1a: {  	_ =	swait.ge [sflag:s13], $0x3080  }
0x1b: {  	[sflag:s13] =	ssyncset.done $0x0  }
0x1c: {  	[sflag:s13] =	ssyncadd.s32 $0xFFFFCF80  }
0x1d: {  	[spmem:s16], [sflag:s15] =	dma.local [hbm:s5], $0x2700  }
0x1e: {  	_ =	swait.ge [sflag:s13], $0x2700  }
0x1f: {  	[sflag:s13] =	ssyncset.done $0x0  }
0x20: {  	s25 =	simm.s32 @!p0 $0x3;
	[sflag:s13] =	ssyncadd.s32 $0xFFFFD900  }
0x21: {  	[spmem:s17], [sflag:s15] =	dma.local @!p0 [hbm:s5], $0x180  }
0x22: {  	_ =	swait.ge @!p0 [sflag:s25], $0x180  }
0x23: {  	[sflag:s25] =	ssyncset.done @!p0 $0x0  }
0x24: {  	[sflag:s25] =	ssyncadd.s32 @!p0 $0xFFFFFE80  }
0x25: {  	[bflag:$0x0] =	sbarrier.arrive $0xFFFF  }
0x26: {  	[tilespmem:s19], [sflag:$0x1] =	stream.indirect.gather [hbm4b:s4+s18], $0x80, s3, s18, $0xb8;
	[tilespmem:$0x1FC40] =	vst v63  }
0x27: {  	_ =	swait.ge [sflag:s20], $0x3400  }
0x28: {  	[sflag:s20] =	ssyncset.done $0x0  }
0x29: {  	s30 =	simm.s32 $0x68;
	[sflag:s20] =	ssyncadd.s32 $0xFFFFCC00  }
0x2a: {  	[tilespmem:s21], [sflag:$0x2] =	stream.indirect.gather [hbm4b:s4+s18], $0x80, s30, s18, $0xb8;
	[tilespmem:$0x1FC40] =	vst v63  }
0x2b: {  	s31 =	simm.s32 $0x2780  }
0x2c: {  	[spmem:s2] =	stream.indirect.scatter.add.f32 [tilespmem:s19], [sflag:$0x3], $0x80, s31, s18, $0xb8;
	[tilespmem:$0x1FC40] =	vst v63  }
0x2d: {  	_ =	swait.ge [sflag:s13], $0x3400  }
0x2e: {  	[sflag:s13] =	ssyncset.done $0x0  }
0x2f: {  	[sflag:s13] =	ssyncadd.s32 $0xFFFFCC00  }
0x30: {  	_ =	swait.ge [sflag:s22], $0x3400  }
0x31: {  	[sflag:s22] =	ssyncset.done $0x0  }
0x32: {  	s25 =	simm.s32 $0xD0;
	[sflag:s22] =	ssyncadd.s32 $0xFFFFCC00  }
0x33: {  	[tilespmem:s19], [sflag:$0x1] =	stream.indirect.gather [hbm4b:s4+s18], $0x80, s25, s18, $0xb8;
	[tilespmem:$0x1FC40] =	vst v63  }
0x34: {  	s26 =	simm.s32 $0x2800  }
0x35: {  	[spmem:s2] =	stream.indirect.scatter.add.f32 [tilespmem:s21], [sflag:$0x3], $0x80, s26, s18, $0xb8;
	[tilespmem:$0x1FC40] =	vst v63  }
0x36: {  	_ =	swait.ge [sflag:s13], $0x3400  }
0x37: {  	s26 =	simm.s32 $0x400;
	[sflag:s13] =	ssyncset.done $0x0  }
.LBB2_2:
0x38: {  	p1 =	sne.s32 s26, $0xBC00;
	[sflag:s13] =	ssyncadd.s32 $0xFFFFCC00;
	s25 =	sadd.s32 $0xD0, s25  }
0x39: {  	s28 =	smov.u32 s26;
	s26 =	sadd.s32 $0x400, s26  }
0x3a: {  	_ =	swait.ge [sflag:s20], $0x3400  }
0x3b: {  	[sflag:s20] =	ssyncset.done $0x0  }
0x3c: {  	s29 =	sadd.s32 $0xFFFFFF98, s25;
	s28 =	sshra.s32 s28, $0x2;
	[sflag:s20] =	ssyncadd.s32 $0xFFFFCC00  }
0x3d: {  	[tilespmem:s21], [sflag:$0x2] =	stream.indirect.gather [hbm4b:s4+s18], $0x80, s29, s18, $0xb8;
	[tilespmem:$0x1FC40] =	vst v63  }
0x3e: {  	s29 =	sadd.s32 $0x2780, s28  }
0x3f: {  	[spmem:s2] =	stream.indirect.scatter.add.f32 [tilespmem:s19], [sflag:$0x3], $0x80, s29, s18, $0xb8;
	[tilespmem:$0x1FC40] =	vst v63  }
0x40: {  	_ =	swait.ge [sflag:s13], $0x3400  }
0x41: {  	[sflag:s13] =	ssyncset.done $0x0  }
0x42: {  	[sflag:s13] =	ssyncadd.s32 $0xFFFFCC00  }
0x43: {  	_ =	swait.ge [sflag:s22], $0x3400  }
0x44: {  	[sflag:s22] =	ssyncset.done $0x0  }
0x45: {  	[sflag:s22] =	ssyncadd.s32 $0xFFFFCC00  }
0x46: {  	[tilespmem:s19], [sflag:$0x1] =	stream.indirect.gather [hbm4b:s4+s18], $0x80, s25, s18, $0xb8;
	[tilespmem:$0x1FC40] =	vst v63  }
.Ltmp0:
0x47: {  	_ = 	snop;
	(pc) =	sbr.rel @p1 .LBB2_2-.Ltmp0, $4  }
0x48: {  	s28 =	sadd.s32 $0x2800, s28  }
0x49: {  	[spmem:s2] =	stream.indirect.scatter.add.f32 [tilespmem:s21], [sflag:$0x3], $0x80, s28, s18, $0xb8;
	[tilespmem:$0x1FC40] =	vst v63  }
0x4a: {  	_ =	swait.ge [sflag:s13], $0x3400  }
0x4b: {  	[sflag:s13] =	ssyncset.done $0x0  }
0x4c: {  	[sflag:s13] =	ssyncadd.s32 $0xFFFFCC00  }
0x4d: {  	_ =	swait.ge [sflag:s20], $0x3400  }
0x4e: {  	[sflag:s20] =	ssyncset.done $0x0  }
0x4f: {  	[sflag:s20] =	ssyncadd.s32 $0xFFFFCC00  }
0x50: {  	[spmem:s2] =	stream.indirect.scatter.add.f32 [tilespmem:s19], [sflag:$0x3], $0x80, s23, s18, $0xb8;
	[tilespmem:$0x1FC40] =	vst v63  }
0x51: {  	_ =	swait.ge [sflag:s13], $0x3400  }
0x52: {  	[sflag:s13] =	ssyncset.done $0x0  }
0x53: {  	[sflag:s13] =	ssyncadd.s32 $0xFFFFCC00  }
0x54: {  	[bflag:$0x0] =	sbarrier.arrive $0xFFFF  }
0x55: {  	[hbm:s8], [sflag:s15] =	dma.local [spmem:s16], $0x2700  }
0x56: {  	s24 =	sadd.s32 $0x1, s24;
	_ =	swait.ge [sflag:s13], $0x2700  }
0x57: {  	p1 =	sne.s32 s24, s10;
	[sflag:s13] =	ssyncset.done $0x0  }
.Ltmp1:
0x58: {  	s25 =	simm.s32 @!p0 $0x3;
	[sflag:s13] =	ssyncadd.s32 $0xFFFFD900;
	(pc) =	sbr.rel @p1 .LBB2_1-.Ltmp1, $4  }
0x59: {  	[hbm:s9], [sflag:s15] =	dma.local @!p0 [spmem:s17], $0x100  }
0x5a: {  	_ =	swait.ge @!p0 [sflag:s25], $0x100  }
0x5b: {  	[sflag:s25] =	ssyncset.done @!p0 $0x0  }
0x5c: {  	[sflag:s25] =	ssyncadd.s32 @!p0 $0xFFFFFF00  }
0x5d: {  	_ =	sfence.sel $0x180000  }
0x5e: {  	[bflag:$0x0] =	sbarrier.arrive $0xFFFF  }
0x5f: {  	p0 =	sne.s32 s0, $0x0;
	_ =	strace $0x9000004A  }
0x60: {  	s0 =	sadd.s32 @!p0 $0x100000, s1;
	[bflag:$0x2] =	sbarrier.arrive $0xFFFF  }
0x61: {  	[sflag:s0] =	ssyncadd.tile.s32 @!p0 $0x1;
	_ =	shalt  }
.Lfunc_end2:
_tile_overlayer_lowered:
.L_overlay_start_2:
0x62: {  	(tag) =	ssettag $0x2  }
0x63: {  	s0 =	rddreg [dreg:$0x0];
	s2 =	stileid.u32  }
0x64: {  	s1 =	rddreg [dreg:$0x1];
	p0 =	sne.s32 s2, $0x0  }
0x65: {  	s3 =	rddreg [dreg:$0x2];
	[bflag:$0x3] =	sbarrier.arrive $0xFFFF;
	s2 =	simm.s32 @!p0 $0x1C03  }
0x66: {  	[timem:s3], [sflag:s2] =	dma.local @!p0 [hbm:s0], s1  }
0x67: {  	s0 =	simm.s32 @!p0 $0x3  }
0x68: {  	_ =	swait.ge @!p0 [sflag:s0], s1  }
0x69: {  	s1 =	ssub.s32 @!p0 $0x0, s1;
	[sflag:s0] =	ssyncset.done @!p0 $0x0  }
0x6a: {  	[sflag:s0] =	ssyncadd.s32 @!p0 s1  }
0x6b: {  	[bflag:$0x3] =	sbarrier.arrive $0xFFFF  }
0x6c: {  	_ =	shalt  }

// kernel: kernel.16.cloned.1.call-start
scs
__scs_entry_jumppad:
0x0: {  	(pc) =	sbr.rel $0x88, $3  }
0x1: {  	(tag) =	ssettag $0x0;
	lr =	simm.s32 $0x1  }
0x2: {  	[smem:$0x3F94] =	sst lr;
	_ =	strace $0xD0000000  }
0x3: {  	_ = 	snop  }
0x4: {  	_ = 	snop  }
0x5: {  	_ = 	snop  }
0x6: {  	_ = 	snop  }
0x7: {  	_ = 	snop  }
__scs_overlays_trampoline_lowered:
0x8: {  	[smem:$0x3FA3] =	sst s0  }
0x9: {  	[smem:$0x3FA4] =	sst s1  }
0xa: {  	[smem:$0x3FA5] =	sst s2  }
0xb: {  	[smem:$0x3FA6] =	sst s3  }
0xc: {  	[smem:$0x3FA7] =	sst s4  }
0xd: {  	[smem:$0x3FA8] =	sst s5  }
0xe: {  	[smem:$0x3FA9] =	sst s6  }
0xf: {  	[smem:$0x3FAA] =	sst s7  }
0x10: {  	[smem:$0x3FAB] =	sst s8  }
0x11: {  	[smem:$0x3FAC] =	sst s9;
	s0 =	simm.s32 @!p0 $0x0  }
0x12: {  	s1 =	sld [smem:$0x3F92];
	s0 =	simm.s32 @p0 $0x1  }
0x13: {  	[smem:$0x3FAD] =	sst s0;
	s0 =	simm.s32 @!p1 $0x0  }
0x14: {  	s2 =	sld [smem:$0x3F91];
	s0 =	simm.s32 @p1 $0x1  }
0x15: {  	[smem:$0x3FAE] =	sst s0;
	s0 =	simm.s32 @!p2 $0x0  }
0x16: {  	s3 =	sld [smem:$0x3FDB];
	s0 =	simm.s32 @p2 $0x1  }
0x17: {  	s4 =	simm.s32 $0x1BF5;
	[smem:$0x3FB0] =	sst s0  }
0x18: {  	s0 =	sld [smem:$0x3F93];
	_ =	swait.ge [sflag:s4], $0x0  }
0x19: {  	s7 =	sld [smem:$0x3F94]  }
0x1a: {  	s8 =	sadd.s32 $0xFFFFE003, lr  }
0x1b: {  	s9 =	sadd.s32 $0xFFFFFEF7, lr;
	s5 =	simm.s32 $0xFFFFFFFF;
	p2 =	slt.u32 s8, $0xFFFFF086  }
0x1c: {  	p1 =	slt.u32 s9, $0xF7A;
	s5 =	simm.s32 @!p2 $0x0  }
0x1d: {  	s5 =	simm.s32 @p1 $0x1;
	p0 =	seq.s32 s7, s2  }
0x1e: {  	s7 =	smul.u32 @!p0 $0xF7A, s2;
	p2 =	seq.s32 @!p0 s5, $0x0  }
0x1f: {  	s9 =	smul.u32 $0xF7A, s1;
	s8 =	simm.s32 @!p0 $0x1BF5;
	p2 =	por !p2, p0  }
0x20: {  	[sflag:s8] =	ssyncset.s32 @!p0 $0xFFFFF086;
	s6 =	sadd.s32 @!p0 s3, s7;
	s7 =	simm.s32 @!p0 $0x108  }
0x21: {  	s3 =	sadd.s32 s3, s9;
	s6 =	sadd.s32 @!p0 $0x88, s6;
	s7 =	simm.s32 @p2 $0x1082  }
0x22: {  	[simem:s7], [sflag:s8] =	dma.local @!p0 [hbm:s6], $0xF7A  }
0x23: {  	s9 =	sor.u32 $0xD0000000, s2;
	s6 =	simm.s32 $0x108;
	_ =	swait.ge @!p0 [sflag:s8], $0x0  }
0x24: {  	s3 =	sadd.s32 $0x88, s3;
	s6 =	simm.s32 @!p1 $0x1082;
	[sflag:s4] =	ssyncset.s32 $0xFFFFF086  }
0x25: {  	[simem:s6], [sflag:s4] =	dma.local [hbm:s3], $0xF7A  }
0x26: {  	[smem:$0x3F94] =	sst s1;
	(tag) =	ssettag s2;
	_ =	strace s9  }
0x27: {  	s1 =	sld [smem:$0x3FA4]  }
0x28: {  	s2 =	sld [smem:$0x3FA5]  }
0x29: {  	s4 =	sld [smem:$0x3FA7]  }
0x2a: {  	p0 =	seq.s32 s5, $0x0;
	s5 =	sld [smem:$0x3FA8]  }
0x2b: {  	s6 =	sld [smem:$0x3FA9]  }
0x2c: {  	s7 =	sld [smem:$0x3FAA]  }
0x2d: {  	s3 =	simm.s32 $0x108;
	s8 =	sld [smem:$0x3FAB]  }
0x2e: {  	s3 =	simm.s32 @!p0 $0x1082;
	s9 =	sld [smem:$0x3FAC]  }
0x2f: {  	lr =	sadd.s32 s0, s3;
	s0 =	sld [smem:$0x3FA3]  }
0x30: {  	s3 =	sld [smem:$0x3FA6]  }
0x31: {  	[smem:$0x3FAF] =	sst s10  }
0x32: {  	s10 =	sld [smem:$0x3FAD];
	_ =	sdelay $0x3  }
0x33: {  	p0 =	seq.s32 s10, $0x1;
	s10 =	sld [smem:$0x3FAF];
	_ =	sdelay $0x3  }
0x34: {  	[smem:$0x3FAF] =	sst s10  }
0x35: {  	s10 =	sld [smem:$0x3FAE];
	_ =	sdelay $0x3  }
0x36: {  	p1 =	seq.s32 s10, $0x1;
	s10 =	sld [smem:$0x3FAF];
	_ =	sdelay $0x3  }
0x37: {  	[smem:$0x3FAF] =	sst s10  }
0x38: {  	s10 =	sld [smem:$0x3FB0]  }
0x39: {  	_ = 	snop;
	(pc) =	sbr.ind lr, $3  }
0x3a: {  	_ = 	snop  }
0x3b: {  	_ = 	snop  }
0x3c: {  	p2 =	seq.s32 s10, $0x1;
	s10 =	sld [smem:$0x3FAF]  }
0x3d: {  	_ =	shalt  }
0x3e: {  	_ =	shalt  }
0x3f: {  	_ =	shalt  }
0x40: {  	_ =	shalt  }
0x41: {  	_ =	shalt  }
0x42: {  	_ =	shalt  }
0x43: {  	_ =	shalt  }
0x44: {  	_ =	shalt  }
0x45: {  	_ =	shalt  }
0x46: {  	_ =	shalt  }
0x47: {  	_ =	shalt  }
0x48: {  	_ =	shalt  }
0x49: {  	_ =	shalt  }
0x4a: {  	_ =	shalt  }
0x4b: {  	_ =	shalt  }
0x4c: {  	_ =	shalt  }
0x4d: {  	_ =	shalt  }
0x4e: {  	_ =	shalt  }
0x4f: {  	_ =	shalt  }
0x50: {  	_ =	shalt  }
0x51: {  	_ =	shalt  }
0x52: {  	_ =	shalt  }
0x53: {  	_ =	shalt  }
0x54: {  	_ =	shalt  }
0x55: {  	_ =	shalt  }
0x56: {  	_ =	shalt  }
0x57: {  	_ =	shalt  }
0x58: {  	_ =	shalt  }
0x59: {  	_ =	shalt  }
0x5a: {  	_ =	shalt  }
0x5b: {  	_ =	shalt  }
0x5c: {  	_ =	shalt  }
0x5d: {  	_ =	shalt  }
0x5e: {  	_ =	shalt  }
0x5f: {  	_ =	shalt  }
0x60: {  	_ =	shalt  }
0x61: {  	_ =	shalt  }
0x62: {  	_ =	shalt  }
0x63: {  	_ =	shalt  }
0x64: {  	_ =	shalt  }
0x65: {  	_ =	shalt  }
0x66: {  	_ =	shalt  }
0x67: {  	_ =	shalt  }
0x68: {  	_ =	shalt  }
0x69: {  	_ =	shalt  }
0x6a: {  	_ =	shalt  }
0x6b: {  	_ =	shalt  }
0x6c: {  	_ =	shalt  }
0x6d: {  	_ =	shalt  }
0x6e: {  	_ =	shalt  }
0x6f: {  	_ =	shalt  }
0x70: {  	_ =	shalt  }
0x71: {  	_ =	shalt  }
0x72: {  	_ =	shalt  }
0x73: {  	_ =	shalt  }
0x74: {  	_ =	shalt  }
0x75: {  	_ =	shalt  }
0x76: {  	_ =	shalt  }
0x77: {  	_ =	shalt  }
0x78: {  	_ =	shalt  }
0x79: {  	_ =	shalt  }
0x7a: {  	_ =	shalt  }
0x7b: {  	_ =	shalt  }
0x7c: {  	_ =	shalt  }
0x7d: {  	_ =	shalt  }
0x7e: {  	_ =	shalt  }
0x7f: {  	_ =	shalt  }
0x80: {  	_ =	shalt  }
0x81: {  	_ =	shalt  }
0x82: {  	_ =	shalt  }
0x83: {  	_ =	shalt  }
0x84: {  	_ =	shalt  }
0x85: {  	_ =	shalt  }
0x86: {  	_ =	shalt  }
0x87: {  	_ =	shalt  }
.Lfunc_end0:
.L_simem_size_0:
called_computation.2_lowered:
.L_overlay_start_0:
0x88: {  	s2 =	sld [smem:$0x3FD9]  }
0x89: {  	s3 =	sld [smem:$0x3FFE];
	_ =	sdelay $0x1  }
0x8a: {  	s1 =	srdreg.scid  }
0x8b: {  	s0 =	sand.u32 $0x1, s1  }
0x8c: {  	s16 =	sshll.u32 s0, $0xA;
	s2 =	sadd.s32 s3, s2  }
0x8d: {  	s2 =	sadd.s32 s2, s16  }
0x8e: {  	[smem:$0x3FBB] =	sst s2  }
0x8f: {  	_ = 	snop  }
0x90: {  	(tm) =	ssettm $0x1  }
0x91: {  	s17 =	sld [smem:$0x3FFB];
	_ =	sdelay $0x3  }
0x92: {  	_ =	strace s17  }
0x93: {  	s2 =	sld [smem:$0x3FFC];
	_ =	sdelay $0x3  }
0x94: {  	_ =	strace s2  }
0x95: {  	s2 =	sld [smem:$0x3FFD];
	_ =	sdelay $0x3  }
0x96: {  	_ =	strace s2  }
0x97: {  	_ =	strace $0x8FFFFFFF  }
0x98: {  	s18 =	sld [smem:$0x3FDB];
	_ =	sdelay $0x1  }
0x99: {  	s19 =	simm.s32 $_scs_section_size  }
0x9a: {  	s4 =	simm.s32 $_size__tile_overlayer_lowered;
	s5 =	simm.s32 $_tile_overlayer_lowered  }
0x9b: {  	s22 =	simm.s32 $0x1BFF;
	s21 =	sshll.u32 s5, $0x1;
	s2 =	sadd.s32 s19, s18  }
0x9c: {  	s6 =	simm.s32 $0x0;
	s20 =	sshll.u32 s4, $0x1;
	s4 =	sadd.s32 s21, s2  }
0x9d: {  	[timem:s6], [sflag:s22] =	dma.local [hbm:s4], s20  }
0x9e: {  	_ =	swait.ge [sflag:s22], s20  }
0x9f: {  	s3 =	ssub.s32 $0x0, s20;
	[sflag:s22] =	ssyncset.done $0x0  }
0xa0: {  	[sflag:s22] =	ssyncadd.s32 s3;
	_ =	sdelay $0x1  }
0xa1: {  	s23 =	simm.s32 $0x1B8B  }
0xa2: {  	_ =	swait.ge [sflag:s23], $0x1  }
0xa3: {  	[sflag:s23] =	ssyncset.done $0x0  }
0xa4: {  	s25 =	simm.s32 $0x1B8E;
	s24 =	sld [smem:$0x3FFE];
	[sflag:s23] =	ssyncadd.s32 $0xFFFFFFFF  }
0xa5: {  	s26 =	simm.s32 $execute0_lowered;
	[smem:$0x3FD2] =	sst s25  }
0xa6: {  	s4 =	sshll.u32 s26, $0x1;
	_ =	strace $0x8000004C;
	[dreg:$0x1] =	wrdreg $0xFFFFFFFF  }
0xa7: {  	s28 =	simm.s32 $_size_execute0_lowered;
	s2 =	sadd.s32 s2, s4;
	[dreg:$0x0] =	wrdreg $0x0  }
0xa8: {  	s4 =	sshll.u32 s28, $0x1;
	[dreg:$0x2] =	wrdreg s2  }
0xa9: {  	[dreg:$0x3] =	wrdreg s4  }
0xaa: {  	[dreg:$0x4] =	wrdreg $0xC0  }
0xab: {  	_ =	task [dreg:s6], $0x5FFFF  }
0xac: {  	[dreg:$0x1] =	wrdreg $0xFFFFFFFF  }
0xad: {  	[dreg:$0x0] =	wrdreg $0x60  }
0xae: {  	[dreg:$0x2] =	wrdreg s24  }
0xaf: {  	[dreg:$0x3] =	wrdreg $0xC3800  }
0xb0: {  	[dreg:$0x4] =	wrdreg $0x9  }
0xb1: {  	_ =	task.clear_ibuf [dreg:s6], $0x5FFFF;
	_ =	strace $0x9000004C  }
0xb2: {  	s29 =	simm.s32 $0x9;
	_ =	strace $0x8000004E  }
0xb3: {  	_ =	swait.ge [sflag:s29], $0x1  }
0xb4: {  	[sflag:s29] =	ssyncadd.s32 $0xFFFFFFFF  }
0xb5: {  	_ =	strace $0x9000004E  }
0xb6: {  	_ =	sfence  }
0xb7: {  	s30 =	sld [smem:$0x0];
	_ =	sdelay $0x2  }
0xb8: {  	s31 =	sshll.u32 s1, $0xD;
	s1 =	sshrl.u32 s1, $0x2  }
0xb9: {  	s3 =	sand.u32 $0x4000, s31;
	s1 =	sadd.s32 s1, s30  }
0xba: {  	s0 =	sor.u32 s3, s0;
	s1 =	sshll.u32 s1, $0x11  }
0xbb: {  	s0 =	sor.u32 s1, s0  }
0xbc: {  	s0 =	sadd.s32 $0x8F2B, s0  }
0xbd: {  	[sflag:s0] =	ssyncadd.remote.s32 $0x1  }
0xbe: {  	_ =	sfence.sel $0xFFFF  }
0xbf: {  	[dreg:$0x0] =	wrdreg $0xFFFFFFFF;
	(pc) =	sbr.abs _section_cstart, $3  }
0xc0: {  	[dreg:$0x1] =	wrdreg $0xFFFFFFFF  }
0xc1: {  	_ =	task.clear_ibuf [dreg:s6], $0x2FFFF;
	_ =	strace $0x9FFFFFFF  }
0xc2: {  	(tm) =	ssettm $0x7FFFFFFF  }
0xc3: {  	_ =	shalt  }
tec
execute0_lowered:
.L_overlay_start_1:
0x0: {  	(tag) =	ssettag $0x1  }
0x1: {  	s1 =	srdreg.scid  }
0x2: {  	s0 =	stileid.u32;
	s6 =	rddreg [dreg:$0x0]  }
0x3: {  	s2 =	rddreg [dreg:$0x1];
	s3 =	simm.s32 $0x0;
	s18 =	simm.s32 $0x68  }
0x4: {  	s19 =	simm.s32 $0x5B80;
	s20 =	simm.s32 $0x1;
	s21 =	simm.s32 $0x8F80  }
0x5: {  	s22 =	simm.s32 $0x2;
	s23 =	simm.s32 $0x5780;
	s5 =	sand.u32 $0x1, s1  }
0x6: {  	s24 =	sshrl.u32 s0, $0x3;
	s1 =	rddreg [dreg:$0x2];
	s26 =	smul.u32 $0x680, s0  }
0x7: {  	s8 =	sshll.u32 s0, $0x7;
	[smem:$0x7FF] =	sst s3;
	s9 =	smul.u32 $0x4E000, s0  }
0x8: {  	s13 =	smul.u32 $0x13800, s0;
	s14 =	sadd.s32 $0x63400, s6;
	s17 =	sadd.s32 $0x138000, s2  }
0x9: {  	p0 =	sne.s32 s0, $0xF;
	s15 =	sshll.u32 s0, $0x6;
	s4 =	smul.u32 $0x27800, s5  }
0xa: {  	s7 =	smul.u32 $0x13C00, s24;
	s25 =	sand.u32 $0x380, s8;
	_ =	strace $0x8000004D  }
0xb: {  	s10 =	ssub.s32 $0x2, s5;
	s11 =	smul.u32 $0x138800, s5;
	s5 =	sadd.s32 $0x60C00, s6  }
0xc: {  	s15 =	sor.u32 $0x1C03, s15;
	s17 =	sshrl.u32 @!p0 s17, $0x3;
	s24 =	simm.s32 $0x0  }
0xd: {  	s8 =	sadd.s32 s26, s6;
	s12 =	sshrl.u32 s10, $0x1;
	s28 =	sshrl.u32 s9, $0x2  }
0xe: {  	s4 =	sadd.s32 s4, s7;
	s10 =	ssub.s32 s10, s12;
	s29 =	sadd.s32 s13, s11  }
0xf: {  	s16 =	sadd.s32 s28, s2;
	s31 =	sshrl.u32 s11, $0x3;
	s11 =	simm.s32 $0x80  }
0x10: {  	s12 =	simm.s32 $0x400;
	s13 =	simm.s32 $0x3;
	s4 =	sor.u32 s25, s4  }
0x11: {  	s30 =	sshrl.u32 s29, $0x3;
	s9 =	sadd.s32 s14, s31;
	s7 =	sshrl.u32 s4, $0x3  }
0x12: {  	s10 =	smax.u32 s10, $0x1;
	s16 =	sshrl.u32 s16, $0x3;
	s7 =	sadd.s32 s7, s6  }
0x13: {  	s4 =	sadd.s32 $0x8C00, s6;
	s9 =	sadd.s32 $0x27000, s9;
	s6 =	sadd.s32 $0x56E00, s7  }
0x14: {  	s7 =	sadd.s32 $0x2400, s8;
	s8 =	sadd.s32 s14, s30;
	s14 =	simm.s32 $0x2780  }
.LBB2_1:
0x15: {  	[tilespmem:s3], [sflag:$0x3] =	stream.strided.gather [hbm4b:s6+s11], $0x2780, s12, s11, $0x38;
	[tilespmem:$0x1FC40] =	vst v63  }
0x16: {  	_ =	swait.ge [sflag:s13], $0x2780  }
0x17: {  	[sflag:s13] =	ssyncset.done $0x0  }
0x18: {  	[sflag:s13] =	ssyncadd.s32 $0xFFFFD880  }
0x19: {  	[tilespmem:s14], [sflag:$0x3] =	stream.linear.gather [hbm4b:s7+s3], $0x3080, $0x38;
	[tilespmem:$0x1FC40] =	vst v63  }
0x1a: {  	_ =	swait.ge [sflag:s13], $0x3080  }
0x1b: {  	[sflag:s13] =	ssyncset.done $0x0  }
0x1c: {  	[sflag:s13] =	ssyncadd.s32 $0xFFFFCF80  }
0x1d: {  	[spmem:s16], [sflag:s15] =	dma.local [hbm:s5], $0x2700  }
0x1e: {  	_ =	swait.ge [sflag:s13], $0x2700  }
0x1f: {  	[sflag:s13] =	ssyncset.done $0x0  }
0x20: {  	s25 =	simm.s32 @!p0 $0x3;
	[sflag:s13] =	ssyncadd.s32 $0xFFFFD900  }
0x21: {  	[spmem:s17], [sflag:s15] =	dma.local @!p0 [hbm:s5], $0x180  }
0x22: {  	_ =	swait.ge @!p0 [sflag:s25], $0x180  }
0x23: {  	[sflag:s25] =	ssyncset.done @!p0 $0x0  }
0x24: {  	[sflag:s25] =	ssyncadd.s32 @!p0 $0xFFFFFE80  }
0x25: {  	[bflag:$0x0] =	sbarrier.arrive $0xFFFF  }
0x26: {  	[tilespmem:s19], [sflag:$0x1] =	stream.indirect.gather [hbm4b:s4+s18], $0x80, s3, s18, $0xb8;
	[tilespmem:$0x1FC40] =	vst v63  }
0x27: {  	_ =	swait.ge [sflag:s20], $0x3400  }
0x28: {  	[sflag:s20] =	ssyncset.done $0x0  }
0x29: {  	s30 =	simm.s32 $0x68;
	[sflag:s20] =	ssyncadd.s32 $0xFFFFCC00  }
0x2a: {  	[tilespmem:s21], [sflag:$0x2] =	stream.indirect.gather [hbm4b:s4+s18], $0x80, s30, s18, $0xb8;
	[tilespmem:$0x1FC40] =	vst v63  }
0x2b: {  	s31 =	simm.s32 $0x2780  }
0x2c: {  	[spmem:s2] =	stream.indirect.scatter.add.f32 [tilespmem:s19], [sflag:$0x3], $0x80, s31, s18, $0xb8;
	[tilespmem:$0x1FC40] =	vst v63  }
0x2d: {  	_ =	swait.ge [sflag:s13], $0x3400  }
0x2e: {  	[sflag:s13] =	ssyncset.done $0x0  }
0x2f: {  	[sflag:s13] =	ssyncadd.s32 $0xFFFFCC00  }
0x30: {  	_ =	swait.ge [sflag:s22], $0x3400  }
0x31: {  	[sflag:s22] =	ssyncset.done $0x0  }
0x32: {  	s25 =	simm.s32 $0xD0;
	[sflag:s22] =	ssyncadd.s32 $0xFFFFCC00  }
0x33: {  	[tilespmem:s19], [sflag:$0x1] =	stream.indirect.gather [hbm4b:s4+s18], $0x80, s25, s18, $0xb8;
	[tilespmem:$0x1FC40] =	vst v63  }
0x34: {  	s26 =	simm.s32 $0x2800  }
0x35: {  	[spmem:s2] =	stream.indirect.scatter.add.f32 [tilespmem:s21], [sflag:$0x3], $0x80, s26, s18, $0xb8;
	[tilespmem:$0x1FC40] =	vst v63  }
0x36: {  	_ =	swait.ge [sflag:s13], $0x3400  }
0x37: {  	s26 =	simm.s32 $0x400;
	[sflag:s13] =	ssyncset.done $0x0  }
.LBB2_2:
0x38: {  	p1 =	sne.s32 s26, $0xBC00;
	[sflag:s13] =	ssyncadd.s32 $0xFFFFCC00;
	s25 =	sadd.s32 $0xD0, s25  }
0x39: {  	s28 =	smov.u32 s26;
	s26 =	sadd.s32 $0x400, s26  }
0x3a: {  	_ =	swait.ge [sflag:s20], $0x3400  }
0x3b: {  	[sflag:s20] =	ssyncset.done $0x0  }
0x3c: {  	s29 =	sadd.s32 $0xFFFFFF98, s25;
	s28 =	sshra.s32 s28, $0x2;
	[sflag:s20] =	ssyncadd.s32 $0xFFFFCC00  }
0x3d: {  	[tilespmem:s21], [sflag:$0x2] =	stream.indirect.gather [hbm4b:s4+s18], $0x80, s29, s18, $0xb8;
	[tilespmem:$0x1FC40] =	vst v63  }
0x3e: {  	s29 =	sadd.s32 $0x2780, s28  }
0x3f: {  	[spmem:s2] =	stream.indirect.scatter.add.f32 [tilespmem:s19], [sflag:$0x3], $0x80, s29, s18, $0xb8;
	[tilespmem:$0x1FC40] =	vst v63  }
0x40: {  	_ =	swait.ge [sflag:s13], $0x3400  }
0x41: {  	[sflag:s13] =	ssyncset.done $0x0  }
0x42: {  	[sflag:s13] =	ssyncadd.s32 $0xFFFFCC00  }
0x43: {  	_ =	swait.ge [sflag:s22], $0x3400  }
0x44: {  	[sflag:s22] =	ssyncset.done $0x0  }
0x45: {  	[sflag:s22] =	ssyncadd.s32 $0xFFFFCC00  }
0x46: {  	[tilespmem:s19], [sflag:$0x1] =	stream.indirect.gather [hbm4b:s4+s18], $0x80, s25, s18, $0xb8;
	[tilespmem:$0x1FC40] =	vst v63  }
.Ltmp0:
0x47: {  	_ = 	snop;
	(pc) =	sbr.rel @p1 .LBB2_2-.Ltmp0, $4  }
0x48: {  	s28 =	sadd.s32 $0x2800, s28  }
0x49: {  	[spmem:s2] =	stream.indirect.scatter.add.f32 [tilespmem:s21], [sflag:$0x3], $0x80, s28, s18, $0xb8;
	[tilespmem:$0x1FC40] =	vst v63  }
0x4a: {  	_ =	swait.ge [sflag:s13], $0x3400  }
0x4b: {  	[sflag:s13] =	ssyncset.done $0x0  }
0x4c: {  	[sflag:s13] =	ssyncadd.s32 $0xFFFFCC00  }
0x4d: {  	_ =	swait.ge [sflag:s20], $0x3400  }
0x4e: {  	[sflag:s20] =	ssyncset.done $0x0  }
0x4f: {  	[sflag:s20] =	ssyncadd.s32 $0xFFFFCC00  }
0x50: {  	[spmem:s2] =	stream.indirect.scatter.add.f32 [tilespmem:s19], [sflag:$0x3], $0x80, s23, s18, $0xb8;
	[tilespmem:$0x1FC40] =	vst v63  }
0x51: {  	_ =	swait.ge [sflag:s13], $0x3400  }
0x52: {  	[sflag:s13] =	ssyncset.done $0x0  }
0x53: {  	[sflag:s13] =	ssyncadd.s32 $0xFFFFCC00  }
0x54: {  	[bflag:$0x0] =	sbarrier.arrive $0xFFFF  }
0x55: {  	[hbm:s8], [sflag:s15] =	dma.local [spmem:s16], $0x2700  }
0x56: {  	s24 =	sadd.s32 $0x1, s24;
	_ =	swait.ge [sflag:s13], $0x2700  }
0x57: {  	p1 =	sne.s32 s24, s10;
	[sflag:s13] =	ssyncset.done $0x0  }
.Ltmp1:
0x58: {  	s25 =	simm.s32 @!p0 $0x3;
	[sflag:s13] =	ssyncadd.s32 $0xFFFFD900;
	(pc) =	sbr.rel @p1 .LBB2_1-.Ltmp1, $4  }
0x59: {  	[hbm:s9], [sflag:s15] =	dma.local @!p0 [spmem:s17], $0x100  }
0x5a: {  	_ =	swait.ge @!p0 [sflag:s25], $0x100  }
0x5b: {  	[sflag:s25] =	ssyncset.done @!p0 $0x0  }
0x5c: {  	[sflag:s25] =	ssyncadd.s32 @!p0 $0xFFFFFF00  }
0x5d: {  	_ =	sfence.sel $0x180000  }
0x5e: {  	[bflag:$0x0] =	sbarrier.arrive $0xFFFF  }
0x5f: {  	p0 =	sne.s32 s0, $0x0;
	_ =	strace $0x9000004D  }
0x60: {  	s0 =	sadd.s32 @!p0 $0x100000, s1;
	[bflag:$0x2] =	sbarrier.arrive $0xFFFF  }
0x61: {  	[sflag:s0] =	ssyncadd.tile.s32 @!p0 $0x1;
	_ =	shalt  }
.Lfunc_end2:
_tile_overlayer_lowered:
.L_overlay_start_2:
0x62: {  	(tag) =	ssettag $0x2  }
0x63: {  	s0 =	rddreg [dreg:$0x0];
	s2 =	stileid.u32  }
0x64: {  	s1 =	rddreg [dreg:$0x1];
	p0 =	sne.s32 s2, $0x0  }
0x65: {  	s3 =	rddreg [dreg:$0x2];
	[bflag:$0x3] =	sbarrier.arrive $0xFFFF;
	s2 =	simm.s32 @!p0 $0x1C03  }
0x66: {  	[timem:s3], [sflag:s2] =	dma.local @!p0 [hbm:s0], s1  }
0x67: {  	s0 =	simm.s32 @!p0 $0x3  }
0x68: {  	_ =	swait.ge @!p0 [sflag:s0], s1  }
0x69: {  	s1 =	ssub.s32 @!p0 $0x0, s1;
	[sflag:s0] =	ssyncset.done @!p0 $0x0  }
0x6a: {  	[sflag:s0] =	ssyncadd.s32 @!p0 s1  }
0x6b: {  	[bflag:$0x3] =	sbarrier.arrive $0xFFFF  }
0x6c: {  	_ =	shalt  }

</sc_bundles>
